<compile_context>
chip_gen: v7x
topology: tpu7x:2x2x1
jax: 0.10.2.dev20260603
libtpu: 0.0.44.dev20260713+nightly
codegen_flags: <defaults>
</compile_context>

<pallas_src>
import functools

import jax
import jax.numpy as jnp
from jax import lax
from jax.experimental import pallas as pl
from jax.experimental.pallas import tpu as pltpu
from jax.experimental.pallas import tpu_sc as plsc

B = 16384
F = 128
N_TAB = 1000

NC = 2
NS = 16
NW = NC * NS
ROWS_PER_W = B // NW
CHUNK = 64
NCHUNK = ROWS_PER_W // CHUNK
NBUF = 4
LANES = 16
GROUPS = CHUNK // LANES

STAGE_TILES = 8
STAGE_ROWS = N_TAB // STAGE_TILES


def _sc_body(x_hbm, y_hbm, c_hbm, a_hbm, out_hbm,
             idxb, a_tab, avb, xb, cb, ob, c_spm,
             sem_a, sem_i, sem_s, sxa, sca, soa):
    sid = lax.axis_index("s")
    wid = sid * NC + lax.axis_index("c")
    base = wid * ROWS_PER_W

    def x_copy(j, slot):
        return pltpu.make_async_copy(
            x_hbm.at[pl.ds(base + j * CHUNK, CHUNK), :], xb.at[slot],
            sxa.at[slot])

    def c_copy(j, slot):
        return pltpu.make_async_copy(
            c_spm.at[idxb.at[j]], cb.at[slot], sca.at[slot])

    def out_copy(j, slot):
        return pltpu.make_async_copy(
            ob.at[slot], out_hbm.at[pl.ds(base + j * CHUNK, CHUNK), :],
            soa.at[slot])

    cp_a = pltpu.async_copy(a_hbm, a_tab, sem_a)

    @pl.when(sid < STAGE_TILES)
    def _stage():
        pltpu.async_copy(
            c_hbm.at[pl.ds(sid * STAGE_ROWS, STAGE_ROWS), :],
            c_spm.at[pl.ds(sid * STAGE_ROWS, STAGE_ROWS), :],
            sem_s).wait()

    cpi = [pltpu.async_copy(y_hbm.at[pl.ds(base + s * CHUNK, CHUNK)],
                            idxb.at[s], sem_i)
           for s in range(NCHUNK)]
    for cp in cpi:
        cp.wait()
    plsc.subcore_barrier()

    for j in range(NBUF):
        x_copy(j, j).start()
        c_copy(j, j).start()
    cp_a.wait()

    def chunk_step(j, carry):
        slot = lax.rem(j, NBUF)
        x_copy(j, slot).wait()
        c_copy(j, slot).wait()

        @pl.when(j >= NBUF)
        def _drain():
            out_copy(j - NBUF, slot).wait()

        @plsc.parallel_loop(0, GROUPS, step=1, unroll=1)
        def scale_body(g):
            idxg = idxb[j, pl.ds(g * LANES, LANES)]
            avb[pl.ds(g * LANES, LANES)] = plsc.load_gather(a_tab, [idxg])

        @plsc.parallel_loop(0, CHUNK, step=1, unroll=4)
        def row_body(row):
            sv = plsc.load_gather(
                avb, [jnp.full((LANES,), row, dtype=jnp.int32)])
            for k in range(F // LANES):
                sl = pl.ds(k * LANES, LANES)
                ob[slot, row, sl] = xb[slot, row, sl] * sv + cb[slot, row, sl]

        out_copy(j, slot).start()
        nj = j + NBUF

        @pl.when(nj < NCHUNK)
        def _prefetch():
            x_copy(nj, slot).start()
            c_copy(nj, slot).start()

        return carry

    lax.fori_loop(0, NCHUNK, chunk_step, 0)

    for j in range(NCHUNK - NBUF, NCHUNK):
        out_copy(j, j % NBUF).wait()


@jax.jit
def _run(x, y, c, a_flat):
    mesh = plsc.VectorSubcoreMesh(core_axis_name="c", subcore_axis_name="s")
    fn = functools.partial(
        pl.kernel,
        out_type=jax.ShapeDtypeStruct((B, F), jnp.float32),
        mesh=mesh,
        scratch_types=[
            pltpu.VMEM((NCHUNK, CHUNK), jnp.int32),
            pltpu.VMEM((N_TAB,), jnp.float32),
            pltpu.VMEM((CHUNK,), jnp.float32),
            pltpu.VMEM((NBUF, CHUNK, F), jnp.float32),
            pltpu.VMEM((NBUF, CHUNK, F), jnp.float32),
            pltpu.VMEM((NBUF, CHUNK, F), jnp.float32),
            pltpu.VMEM_SHARED((N_TAB, F), jnp.float32),
            pltpu.SemaphoreType.DMA,
            pltpu.SemaphoreType.DMA,
            pltpu.SemaphoreType.DMA,
            pltpu.SemaphoreType.DMA((NBUF,)),
            pltpu.SemaphoreType.DMA((NBUF,)),
            pltpu.SemaphoreType.DMA((NBUF,)),
        ],
        compiler_params=pltpu.CompilerParams(needs_layout_passes=False,
                                             use_tc_tiling_on_sc=False),
    )(_sc_body)
    return fn(x, y, c, a_flat)


def kernel(x, y, batch_c, a):
    return _run(x, y.astype(jnp.int32), batch_c, a.reshape(-1))

# --- scband reference (transcript-rebuilt; emitter-appended) ---
"""Pipeline reference for scband-batch-specific-norm-31774168056312 (READ-ONLY COPY).

The authoritative reference and input builder live on the scoring server;
editing this copy changes nothing except your own understanding.
"""

import jax, jax.numpy as jnp
import numpy as np

N_BATCHES = 1000
N_FEATURES = 128
BATCH = 16384

def setup_inputs(seed: int = 0) -> dict:
    key = jax.random.key(seed)
    k1, k2 = jax.random.split(key)
    x = jax.random.normal(k1, (BATCH, N_FEATURES), dtype=jnp.float32)
    y = jax.random.randint(k2, (BATCH,), 0, N_BATCHES, dtype=jnp.int64 if jax.config.jax_enable_x64 else jnp.int32)
    # learned params: batch_c initialized to zeros, a initialized to ones (as in torch __init__)
    batch_c = jnp.zeros((N_BATCHES, N_FEATURES), dtype=jnp.float32)
    a = jnp.ones((N_BATCHES, 1), dtype=jnp.float32)
    return {"x": x, "y": y, "batch_c": batch_c, "a": a}

def reference(x, y, batch_c, a):
    # embedding lookups (gather)
    a_y = jnp.take(a, y, axis=0)          # [B, 1]
    c_y = jnp.take(batch_c, y, axis=0)    # [B, n_features]
    return x * a_y + c_y

if __name__ == "__main__":
    import jax
    _d = setup_inputs()
    print(jax.jit(kernel)(*tuple(_d.values())))

</pallas_src>

<mosaic_0001>
#map = affine_map<(d0, d1) -> (0, 0)>
#map1 = affine_map<(d0, d1) -> (0)>
module attributes {stable_mosaic.version = 14 : i64} {
  func.func @_sc_body(%arg0: i32, %arg1: i32, %arg2: memref<16384x128xf32, #tpu.memory_space<hbm>>, %arg3: memref<16384xi32, #tpu.memory_space<hbm>>, %arg4: memref<1000x128xf32, #tpu.memory_space<hbm>>, %arg5: memref<1000xf32, #tpu.memory_space<hbm>>, %arg6: memref<16384x128xf32, #tpu.memory_space<hbm>>, %arg7: memref<8x64xi32, #tpu.memory_space<vmem>>, %arg8: memref<1000xf32, #tpu.memory_space<vmem>>, %arg9: memref<64xf32, #tpu.memory_space<vmem>>, %arg10: memref<4x64x128xf32, #tpu.memory_space<vmem>>, %arg11: memref<4x64x128xf32, #tpu.memory_space<vmem>>, %arg12: memref<4x64x128xf32, #tpu.memory_space<vmem>>, %arg13: memref<1000x128xf32, #tpu.memory_space<vmem_shared>>, %arg14: memref<!tpu.dma_semaphore, #tpu.memory_space<semaphore_mem>>, %arg15: memref<!tpu.dma_semaphore, #tpu.memory_space<semaphore_mem>>, %arg16: memref<!tpu.dma_semaphore, #tpu.memory_space<semaphore_mem>>, %arg17: memref<4x!tpu.dma_semaphore, #tpu.memory_space<semaphore_mem>>, %arg18: memref<4x!tpu.dma_semaphore, #tpu.memory_space<semaphore_mem>>, %arg19: memref<4x!tpu.dma_semaphore, #tpu.memory_space<semaphore_mem>>) attributes {dimension_semantics = [#tpu.dimension_semantics<core_parallel>, #tpu.dimension_semantics<subcore_parallel>], iteration_bounds = array<i64: 2, 16>, scalar_prefetch = 0 : i64, scratch_operands = 13 : i64, tpu.core_type = #tpu.core_type<sc_vector_subcore>, window_params = [{transform_indices = #map}, {transform_indices = #map1}, {transform_indices = #map}, {transform_indices = #map1}, {transform_indices = #map}]} {
    %mul3A = arith.constant 2 : i32
    %mul3A_0 = arith.muli %arg1, %mul3A : i32
    %add3A = arith.addi %mul3A_0, %arg0 : i32
    %mul3A_1 = arith.constant 512 : i32
    %mul3A_2 = arith.muli %add3A, %mul3A_1 : i32
    tpu.enqueue_dma source(%arg5 : memref<1000xf32, #tpu.memory_space<hbm>>) target(%arg8 : memref<1000xf32, #tpu.memory_space<vmem>>) target_semaphore(%arg14 : memref<!tpu.dma_semaphore, #tpu.memory_space<semaphore_mem>>)
    %lt3A = arith.constant 8 : i32
    %lt3A_3 = arith.cmpi slt, %arg1, %lt3A : i32
    %convert_element_type3A = arith.extui %lt3A_3 : i1 to i32
    %cond3A = arith.constant 0 : i32
    %cond3A_4 = arith.cmpi ne, %convert_element_type3A, %cond3A : i32
    scf.if %cond3A_4 {
      %mul3A_372 = arith.constant 125 : i32
      %mul3A_373 = arith.muli %arg1, %mul3A_372 : i32
      %mul3A_374 = arith.constant 125 : i32
      %mul3A_375 = arith.muli %arg1, %mul3A_374 : i32
      %dma_start3A_376 = arith.constant 0 : i32
      %dma_start3A_377 = tpu.memref_slice %arg13[%mul3A_375, %dma_start3A_376] : memref<1000x128xf32, #tpu.memory_space<vmem_shared>> -> memref<125x128xf32, #tpu.memory_space<vmem_shared>>
      %dma_start3A_378 = arith.constant 0 : i32
      %dma_start3A_379 = tpu.memref_slice %arg4[%mul3A_373, %dma_start3A_378] : memref<1000x128xf32, #tpu.memory_space<hbm>> -> memref<125x128xf32, #tpu.memory_space<hbm>>
      tpu.enqueue_dma source(%dma_start3A_379 : memref<125x128xf32, #tpu.memory_space<hbm>>) target(%dma_start3A_377 : memref<125x128xf32, #tpu.memory_space<vmem_shared>>) target_semaphore(%arg16 : memref<!tpu.dma_semaphore, #tpu.memory_space<semaphore_mem>>)
      %dma_wait3A_380 = arith.constant 0 : i32
      %dma_wait3A_381 = tpu.memref_slice %arg13[%mul3A_375, %dma_wait3A_380] : memref<1000x128xf32, #tpu.memory_space<vmem_shared>> -> memref<125x128xf32, #tpu.memory_space<vmem_shared>>
      %dma_wait3A_382 = arith.constant 0 : i32
      %dma_wait3A_383 = tpu.memref_slice %arg4[%mul3A_373, %dma_wait3A_382] : memref<1000x128xf32, #tpu.memory_space<hbm>> -> memref<125x128xf32, #tpu.memory_space<hbm>>
      tpu.wait_dma2 semaphore(%arg16 : memref<!tpu.dma_semaphore, #tpu.memory_space<semaphore_mem>>) src(%dma_wait3A_383 : memref<125x128xf32, #tpu.memory_space<hbm>>) dst(%dma_wait3A_381 : memref<125x128xf32, #tpu.memory_space<vmem_shared>>)
    } else {
    }
    %add3A_5 = arith.constant 0 : i32
    %add3A_6 = arith.addi %mul3A_2, %add3A_5 : i32
    %dma_start3A = arith.constant 0 : i32
    %dma_start3A_7 = arith.constant 0 : i32
    %dma_start3A_8 = tpu.memref_slice %arg7[%dma_start3A, %dma_start3A_7] : memref<8x64xi32, #tpu.memory_space<vmem>> -> memref<1x64xi32, #tpu.memory_space<vmem>>
    %dma_start3A_9 = tpu.memref_squeeze %dma_start3A_8 : memref<1x64xi32, #tpu.memory_space<vmem>> -> memref<64xi32, #tpu.memory_space<vmem>>
    %dma_start3A_10 = tpu.memref_slice %arg3[%add3A_6] : memref<16384xi32, #tpu.memory_space<hbm>> -> memref<64xi32, #tpu.memory_space<hbm>>
    %dma_start3A_11 = arith.constant 0 : i32
    %dma_start3A_12 = tpu.memref_slice %arg7[%dma_start3A, %dma_start3A_11] : memref<8x64xi32, #tpu.memory_space<vmem>> -> memref<1x64xi32, #tpu.memory_space<vmem>>
    %dma_start3A_13 = tpu.memref_squeeze %dma_start3A_12 : memref<1x64xi32, #tpu.memory_space<vmem>> -> memref<64xi32, #tpu.memory_space<vmem>>
    %dma_start3A_14 = tpu.memref_slice %arg3[%add3A_6] : memref<16384xi32, #tpu.memory_space<hbm>> -> memref<64xi32, #tpu.memory_space<hbm>>
    tpu.enqueue_dma source(%dma_start3A_14 : memref<64xi32, #tpu.memory_space<hbm>>) target(%dma_start3A_13 : memref<64xi32, #tpu.memory_space<vmem>>) target_semaphore(%arg15 : memref<!tpu.dma_semaphore, #tpu.memory_space<semaphore_mem>>)
    %add3A_15 = arith.constant 64 : i32
    %add3A_16 = arith.addi %mul3A_2, %add3A_15 : i32
    %dma_start3A_17 = arith.constant 1 : i32
    %dma_start3A_18 = arith.constant 0 : i32
    %dma_start3A_19 = tpu.memref_slice %arg7[%dma_start3A_17, %dma_start3A_18] : memref<8x64xi32, #tpu.memory_space<vmem>> -> memref<1x64xi32, #tpu.memory_space<vmem>>
    %dma_start3A_20 = tpu.memref_squeeze %dma_start3A_19 : memref<1x64xi32, #tpu.memory_space<vmem>> -> memref<64xi32, #tpu.memory_space<vmem>>
    %dma_start3A_21 = tpu.memref_slice %arg3[%add3A_16] : memref<16384xi32, #tpu.memory_space<hbm>> -> memref<64xi32, #tpu.memory_space<hbm>>
    %dma_start3A_22 = arith.constant 0 : i32
    %dma_start3A_23 = tpu.memref_slice %arg7[%dma_start3A_17, %dma_start3A_22] : memref<8x64xi32, #tpu.memory_space<vmem>> -> memref<1x64xi32, #tpu.memory_space<vmem>>
    %dma_start3A_24 = tpu.memref_squeeze %dma_start3A_23 : memref<1x64xi32, #tpu.memory_space<vmem>> -> memref<64xi32, #tpu.memory_space<vmem>>
    %dma_start3A_25 = tpu.memref_slice %arg3[%add3A_16] : memref<16384xi32, #tpu.memory_space<hbm>> -> memref<64xi32, #tpu.memory_space<hbm>>
    tpu.enqueue_dma source(%dma_start3A_25 : memref<64xi32, #tpu.memory_space<hbm>>) target(%dma_start3A_24 : memref<64xi32, #tpu.memory_space<vmem>>) target_semaphore(%arg15 : memref<!tpu.dma_semaphore, #tpu.memory_space<semaphore_mem>>)
    %add3A_26 = arith.constant 128 : i32
    %add3A_27 = arith.addi %mul3A_2, %add3A_26 : i32
    %dma_start3A_28 = arith.constant 2 : i32
    %dma_start3A_29 = arith.constant 0 : i32
    %dma_start3A_30 = tpu.memref_slice %arg7[%dma_start3A_28, %dma_start3A_29] : memref<8x64xi32, #tpu.memory_space<vmem>> -> memref<1x64xi32, #tpu.memory_space<vmem>>
    %dma_start3A_31 = tpu.memref_squeeze %dma_start3A_30 : memref<1x64xi32, #tpu.memory_space<vmem>> -> memref<64xi32, #tpu.memory_space<vmem>>
    %dma_start3A_32 = tpu.memref_slice %arg3[%add3A_27] : memref<16384xi32, #tpu.memory_space<hbm>> -> memref<64xi32, #tpu.memory_space<hbm>>
    %dma_start3A_33 = arith.constant 0 : i32
    %dma_start3A_34 = tpu.memref_slice %arg7[%dma_start3A_28, %dma_start3A_33] : memref<8x64xi32, #tpu.memory_space<vmem>> -> memref<1x64xi32, #tpu.memory_space<vmem>>
    %dma_start3A_35 = tpu.memref_squeeze %dma_start3A_34 : memref<1x64xi32, #tpu.memory_space<vmem>> -> memref<64xi32, #tpu.memory_space<vmem>>
    %dma_start3A_36 = tpu.memref_slice %arg3[%add3A_27] : memref<16384xi32, #tpu.memory_space<hbm>> -> memref<64xi32, #tpu.memory_space<hbm>>
    tpu.enqueue_dma source(%dma_start3A_36 : memref<64xi32, #tpu.memory_space<hbm>>) target(%dma_start3A_35 : memref<64xi32, #tpu.memory_space<vmem>>) target_semaphore(%arg15 : memref<!tpu.dma_semaphore, #tpu.memory_space<semaphore_mem>>)
    %add3A_37 = arith.constant 192 : i32
    %add3A_38 = arith.addi %mul3A_2, %add3A_37 : i32
    %dma_start3A_39 = arith.constant 3 : i32
    %dma_start3A_40 = arith.constant 0 : i32
    %dma_start3A_41 = tpu.memref_slice %arg7[%dma_start3A_39, %dma_start3A_40] : memref<8x64xi32, #tpu.memory_space<vmem>> -> memref<1x64xi32, #tpu.memory_space<vmem>>
    %dma_start3A_42 = tpu.memref_squeeze %dma_start3A_41 : memref<1x64xi32, #tpu.memory_space<vmem>> -> memref<64xi32, #tpu.memory_space<vmem>>
    %dma_start3A_43 = tpu.memref_slice %arg3[%add3A_38] : memref<16384xi32, #tpu.memory_space<hbm>> -> memref<64xi32, #tpu.memory_space<hbm>>
    %dma_start3A_44 = arith.constant 0 : i32
    %dma_start3A_45 = tpu.memref_slice %arg7[%dma_start3A_39, %dma_start3A_44] : memref<8x64xi32, #tpu.memory_space<vmem>> -> memref<1x64xi32, #tpu.memory_space<vmem>>
    %dma_start3A_46 = tpu.memref_squeeze %dma_start3A_45 : memref<1x64xi32, #tpu.memory_space<vmem>> -> memref<64xi32, #tpu.memory_space<vmem>>
    %dma_start3A_47 = tpu.memref_slice %arg3[%add3A_38] : memref<16384xi32, #tpu.memory_space<hbm>> -> memref<64xi32, #tpu.memory_space<hbm>>
    tpu.enqueue_dma source(%dma_start3A_47 : memref<64xi32, #tpu.memory_space<hbm>>) target(%dma_start3A_46 : memref<64xi32, #tpu.memory_space<vmem>>) target_semaphore(%arg15 : memref<!tpu.dma_semaphore, #tpu.memory_space<semaphore_mem>>)
    %add3A_48 = arith.constant 256 : i32
    %add3A_49 = arith.addi %mul3A_2, %add3A_48 : i32
    %dma_start3A_50 = arith.constant 4 : i32
    %dma_start3A_51 = arith.constant 0 : i32
    %dma_start3A_52 = tpu.memref_slice %arg7[%dma_start3A_50, %dma_start3A_51] : memref<8x64xi32, #tpu.memory_space<vmem>> -> memref<1x64xi32, #tpu.memory_space<vmem>>
    %dma_start3A_53 = tpu.memref_squeeze %dma_start3A_52 : memref<1x64xi32, #tpu.memory_space<vmem>> -> memref<64xi32, #tpu.memory_space<vmem>>
    %dma_start3A_54 = tpu.memref_slice %arg3[%add3A_49] : memref<16384xi32, #tpu.memory_space<hbm>> -> memref<64xi32, #tpu.memory_space<hbm>>
    %dma_start3A_55 = arith.constant 0 : i32
    %dma_start3A_56 = tpu.memref_slice %arg7[%dma_start3A_50, %dma_start3A_55] : memref<8x64xi32, #tpu.memory_space<vmem>> -> memref<1x64xi32, #tpu.memory_space<vmem>>
    %dma_start3A_57 = tpu.memref_squeeze %dma_start3A_56 : memref<1x64xi32, #tpu.memory_space<vmem>> -> memref<64xi32, #tpu.memory_space<vmem>>
    %dma_start3A_58 = tpu.memref_slice %arg3[%add3A_49] : memref<16384xi32, #tpu.memory_space<hbm>> -> memref<64xi32, #tpu.memory_space<hbm>>
    tpu.enqueue_dma source(%dma_start3A_58 : memref<64xi32, #tpu.memory_space<hbm>>) target(%dma_start3A_57 : memref<64xi32, #tpu.memory_space<vmem>>) target_semaphore(%arg15 : memref<!tpu.dma_semaphore, #tpu.memory_space<semaphore_mem>>)
    %add3A_59 = arith.constant 320 : i32
    %add3A_60 = arith.addi %mul3A_2, %add3A_59 : i32
    %dma_start3A_61 = arith.constant 5 : i32
    %dma_start3A_62 = arith.constant 0 : i32
    %dma_start3A_63 = tpu.memref_slice %arg7[%dma_start3A_61, %dma_start3A_62] : memref<8x64xi32, #tpu.memory_space<vmem>> -> memref<1x64xi32, #tpu.memory_space<vmem>>
    %dma_start3A_64 = tpu.memref_squeeze %dma_start3A_63 : memref<1x64xi32, #tpu.memory_space<vmem>> -> memref<64xi32, #tpu.memory_space<vmem>>
    %dma_start3A_65 = tpu.memref_slice %arg3[%add3A_60] : memref<16384xi32, #tpu.memory_space<hbm>> -> memref<64xi32, #tpu.memory_space<hbm>>
    %dma_start3A_66 = arith.constant 0 : i32
    %dma_start3A_67 = tpu.memref_slice %arg7[%dma_start3A_61, %dma_start3A_66] : memref<8x64xi32, #tpu.memory_space<vmem>> -> memref<1x64xi32, #tpu.memory_space<vmem>>
    %dma_start3A_68 = tpu.memref_squeeze %dma_start3A_67 : memref<1x64xi32, #tpu.memory_space<vmem>> -> memref<64xi32, #tpu.memory_space<vmem>>
    %dma_start3A_69 = tpu.memref_slice %arg3[%add3A_60] : memref<16384xi32, #tpu.memory_space<hbm>> -> memref<64xi32, #tpu.memory_space<hbm>>
    tpu.enqueue_dma source(%dma_start3A_69 : memref<64xi32, #tpu.memory_space<hbm>>) target(%dma_start3A_68 : memref<64xi32, #tpu.memory_space<vmem>>) target_semaphore(%arg15 : memref<!tpu.dma_semaphore, #tpu.memory_space<semaphore_mem>>)
    %add3A_70 = arith.constant 384 : i32
    %add3A_71 = arith.addi %mul3A_2, %add3A_70 : i32
    %dma_start3A_72 = arith.constant 6 : i32
    %dma_start3A_73 = arith.constant 0 : i32
    %dma_start3A_74 = tpu.memref_slice %arg7[%dma_start3A_72, %dma_start3A_73] : memref<8x64xi32, #tpu.memory_space<vmem>> -> memref<1x64xi32, #tpu.memory_space<vmem>>
    %dma_start3A_75 = tpu.memref_squeeze %dma_start3A_74 : memref<1x64xi32, #tpu.memory_space<vmem>> -> memref<64xi32, #tpu.memory_space<vmem>>
    %dma_start3A_76 = tpu.memref_slice %arg3[%add3A_71] : memref<16384xi32, #tpu.memory_space<hbm>> -> memref<64xi32, #tpu.memory_space<hbm>>
    %dma_start3A_77 = arith.constant 0 : i32
    %dma_start3A_78 = tpu.memref_slice %arg7[%dma_start3A_72, %dma_start3A_77] : memref<8x64xi32, #tpu.memory_space<vmem>> -> memref<1x64xi32, #tpu.memory_space<vmem>>
    %dma_start3A_79 = tpu.memref_squeeze %dma_start3A_78 : memref<1x64xi32, #tpu.memory_space<vmem>> -> memref<64xi32, #tpu.memory_space<vmem>>
    %dma_start3A_80 = tpu.memref_slice %arg3[%add3A_71] : memref<16384xi32, #tpu.memory_space<hbm>> -> memref<64xi32, #tpu.memory_space<hbm>>
    tpu.enqueue_dma source(%dma_start3A_80 : memref<64xi32, #tpu.memory_space<hbm>>) target(%dma_start3A_79 : memref<64xi32, #tpu.memory_space<vmem>>) target_semaphore(%arg15 : memref<!tpu.dma_semaphore, #tpu.memory_space<semaphore_mem>>)
    %add3A_81 = arith.constant 448 : i32
    %add3A_82 = arith.addi %mul3A_2, %add3A_81 : i32
    %dma_start3A_83 = arith.constant 7 : i32
    %dma_start3A_84 = arith.constant 0 : i32
    %dma_start3A_85 = tpu.memref_slice %arg7[%dma_start3A_83, %dma_start3A_84] : memref<8x64xi32, #tpu.memory_space<vmem>> -> memref<1x64xi32, #tpu.memory_space<vmem>>
    %dma_start3A_86 = tpu.memref_squeeze %dma_start3A_85 : memref<1x64xi32, #tpu.memory_space<vmem>> -> memref<64xi32, #tpu.memory_space<vmem>>
    %dma_start3A_87 = tpu.memref_slice %arg3[%add3A_82] : memref<16384xi32, #tpu.memory_space<hbm>> -> memref<64xi32, #tpu.memory_space<hbm>>
    %dma_start3A_88 = arith.constant 0 : i32
    %dma_start3A_89 = tpu.memref_slice %arg7[%dma_start3A_83, %dma_start3A_88] : memref<8x64xi32, #tpu.memory_space<vmem>> -> memref<1x64xi32, #tpu.memory_space<vmem>>
    %dma_start3A_90 = tpu.memref_squeeze %dma_start3A_89 : memref<1x64xi32, #tpu.memory_space<vmem>> -> memref<64xi32, #tpu.memory_space<vmem>>
    %dma_start3A_91 = tpu.memref_slice %arg3[%add3A_82] : memref<16384xi32, #tpu.memory_space<hbm>> -> memref<64xi32, #tpu.memory_space<hbm>>
    tpu.enqueue_dma source(%dma_start3A_91 : memref<64xi32, #tpu.memory_space<hbm>>) target(%dma_start3A_90 : memref<64xi32, #tpu.memory_space<vmem>>) target_semaphore(%arg15 : memref<!tpu.dma_semaphore, #tpu.memory_space<semaphore_mem>>)
    %dma_wait3A = arith.constant 0 : i32
    %dma_wait3A_92 = arith.constant 0 : i32
    %dma_wait3A_93 = tpu.memref_slice %arg7[%dma_wait3A, %dma_wait3A_92] : memref<8x64xi32, #tpu.memory_space<vmem>> -> memref<1x64xi32, #tpu.memory_space<vmem>>
    %dma_wait3A_94 = tpu.memref_squeeze %dma_wait3A_93 : memref<1x64xi32, #tpu.memory_space<vmem>> -> memref<64xi32, #tpu.memory_space<vmem>>
    %dma_wait3A_95 = tpu.memref_slice %arg3[%add3A_6] : memref<16384xi32, #tpu.memory_space<hbm>> -> memref<64xi32, #tpu.memory_space<hbm>>
    %dma_wait3A_96 = arith.constant 0 : i32
    %dma_wait3A_97 = tpu.memref_slice %arg7[%dma_wait3A, %dma_wait3A_96] : memref<8x64xi32, #tpu.memory_space<vmem>> -> memref<1x64xi32, #tpu.memory_space<vmem>>
    %dma_wait3A_98 = tpu.memref_squeeze %dma_wait3A_97 : memref<1x64xi32, #tpu.memory_space<vmem>> -> memref<64xi32, #tpu.memory_space<vmem>>
    %dma_wait3A_99 = tpu.memref_slice %arg3[%add3A_6] : memref<16384xi32, #tpu.memory_space<hbm>> -> memref<64xi32, #tpu.memory_space<hbm>>
    tpu.wait_dma2 semaphore(%arg15 : memref<!tpu.dma_semaphore, #tpu.memory_space<semaphore_mem>>) src(%dma_wait3A_99 : memref<64xi32, #tpu.memory_space<hbm>>) dst(%dma_wait3A_98 : memref<64xi32, #tpu.memory_space<vmem>>)
    %dma_wait3A_100 = arith.constant 1 : i32
    %dma_wait3A_101 = arith.constant 0 : i32
    %dma_wait3A_102 = tpu.memref_slice %arg7[%dma_wait3A_100, %dma_wait3A_101] : memref<8x64xi32, #tpu.memory_space<vmem>> -> memref<1x64xi32, #tpu.memory_space<vmem>>
    %dma_wait3A_103 = tpu.memref_squeeze %dma_wait3A_102 : memref<1x64xi32, #tpu.memory_space<vmem>> -> memref<64xi32, #tpu.memory_space<vmem>>
    %dma_wait3A_104 = tpu.memref_slice %arg3[%add3A_16] : memref<16384xi32, #tpu.memory_space<hbm>> -> memref<64xi32, #tpu.memory_space<hbm>>
    %dma_wait3A_105 = arith.constant 0 : i32
    %dma_wait3A_106 = tpu.memref_slice %arg7[%dma_wait3A_100, %dma_wait3A_105] : memref<8x64xi32, #tpu.memory_space<vmem>> -> memref<1x64xi32, #tpu.memory_space<vmem>>
    %dma_wait3A_107 = tpu.memref_squeeze %dma_wait3A_106 : memref<1x64xi32, #tpu.memory_space<vmem>> -> memref<64xi32, #tpu.memory_space<vmem>>
    %dma_wait3A_108 = tpu.memref_slice %arg3[%add3A_16] : memref<16384xi32, #tpu.memory_space<hbm>> -> memref<64xi32, #tpu.memory_space<hbm>>
    tpu.wait_dma2 semaphore(%arg15 : memref<!tpu.dma_semaphore, #tpu.memory_space<semaphore_mem>>) src(%dma_wait3A_108 : memref<64xi32, #tpu.memory_space<hbm>>) dst(%dma_wait3A_107 : memref<64xi32, #tpu.memory_space<vmem>>)
    %dma_wait3A_109 = arith.constant 2 : i32
    %dma_wait3A_110 = arith.constant 0 : i32
    %dma_wait3A_111 = tpu.memref_slice %arg7[%dma_wait3A_109, %dma_wait3A_110] : memref<8x64xi32, #tpu.memory_space<vmem>> -> memref<1x64xi32, #tpu.memory_space<vmem>>
    %dma_wait3A_112 = tpu.memref_squeeze %dma_wait3A_111 : memref<1x64xi32, #tpu.memory_space<vmem>> -> memref<64xi32, #tpu.memory_space<vmem>>
    %dma_wait3A_113 = tpu.memref_slice %arg3[%add3A_27] : memref<16384xi32, #tpu.memory_space<hbm>> -> memref<64xi32, #tpu.memory_space<hbm>>
    %dma_wait3A_114 = arith.constant 0 : i32
    %dma_wait3A_115 = tpu.memref_slice %arg7[%dma_wait3A_109, %dma_wait3A_114] : memref<8x64xi32, #tpu.memory_space<vmem>> -> memref<1x64xi32, #tpu.memory_space<vmem>>
    %dma_wait3A_116 = tpu.memref_squeeze %dma_wait3A_115 : memref<1x64xi32, #tpu.memory_space<vmem>> -> memref<64xi32, #tpu.memory_space<vmem>>
    %dma_wait3A_117 = tpu.memref_slice %arg3[%add3A_27] : memref<16384xi32, #tpu.memory_space<hbm>> -> memref<64xi32, #tpu.memory_space<hbm>>
    tpu.wait_dma2 semaphore(%arg15 : memref<!tpu.dma_semaphore, #tpu.memory_space<semaphore_mem>>) src(%dma_wait3A_117 : memref<64xi32, #tpu.memory_space<hbm>>) dst(%dma_wait3A_116 : memref<64xi32, #tpu.memory_space<vmem>>)
    %dma_wait3A_118 = arith.constant 3 : i32
    %dma_wait3A_119 = arith.constant 0 : i32
    %dma_wait3A_120 = tpu.memref_slice %arg7[%dma_wait3A_118, %dma_wait3A_119] : memref<8x64xi32, #tpu.memory_space<vmem>> -> memref<1x64xi32, #tpu.memory_space<vmem>>
    %dma_wait3A_121 = tpu.memref_squeeze %dma_wait3A_120 : memref<1x64xi32, #tpu.memory_space<vmem>> -> memref<64xi32, #tpu.memory_space<vmem>>
    %dma_wait3A_122 = tpu.memref_slice %arg3[%add3A_38] : memref<16384xi32, #tpu.memory_space<hbm>> -> memref<64xi32, #tpu.memory_space<hbm>>
    %dma_wait3A_123 = arith.constant 0 : i32
    %dma_wait3A_124 = tpu.memref_slice %arg7[%dma_wait3A_118, %dma_wait3A_123] : memref<8x64xi32, #tpu.memory_space<vmem>> -> memref<1x64xi32, #tpu.memory_space<vmem>>
    %dma_wait3A_125 = tpu.memref_squeeze %dma_wait3A_124 : memref<1x64xi32, #tpu.memory_space<vmem>> -> memref<64xi32, #tpu.memory_space<vmem>>
    %dma_wait3A_126 = tpu.memref_slice %arg3[%add3A_38] : memref<16384xi32, #tpu.memory_space<hbm>> -> memref<64xi32, #tpu.memory_space<hbm>>
    tpu.wait_dma2 semaphore(%arg15 : memref<!tpu.dma_semaphore, #tpu.memory_space<semaphore_mem>>) src(%dma_wait3A_126 : memref<64xi32, #tpu.memory_space<hbm>>) dst(%dma_wait3A_125 : memref<64xi32, #tpu.memory_space<vmem>>)
    %dma_wait3A_127 = arith.constant 4 : i32
    %dma_wait3A_128 = arith.constant 0 : i32
    %dma_wait3A_129 = tpu.memref_slice %arg7[%dma_wait3A_127, %dma_wait3A_128] : memref<8x64xi32, #tpu.memory_space<vmem>> -> memref<1x64xi32, #tpu.memory_space<vmem>>
    %dma_wait3A_130 = tpu.memref_squeeze %dma_wait3A_129 : memref<1x64xi32, #tpu.memory_space<vmem>> -> memref<64xi32, #tpu.memory_space<vmem>>
    %dma_wait3A_131 = tpu.memref_slice %arg3[%add3A_49] : memref<16384xi32, #tpu.memory_space<hbm>> -> memref<64xi32, #tpu.memory_space<hbm>>
    %dma_wait3A_132 = arith.constant 0 : i32
    %dma_wait3A_133 = tpu.memref_slice %arg7[%dma_wait3A_127, %dma_wait3A_132] : memref<8x64xi32, #tpu.memory_space<vmem>> -> memref<1x64xi32, #tpu.memory_space<vmem>>
    %dma_wait3A_134 = tpu.memref_squeeze %dma_wait3A_133 : memref<1x64xi32, #tpu.memory_space<vmem>> -> memref<64xi32, #tpu.memory_space<vmem>>
    %dma_wait3A_135 = tpu.memref_slice %arg3[%add3A_49] : memref<16384xi32, #tpu.memory_space<hbm>> -> memref<64xi32, #tpu.memory_space<hbm>>
    tpu.wait_dma2 semaphore(%arg15 : memref<!tpu.dma_semaphore, #tpu.memory_space<semaphore_mem>>) src(%dma_wait3A_135 : memref<64xi32, #tpu.memory_space<hbm>>) dst(%dma_wait3A_134 : memref<64xi32, #tpu.memory_space<vmem>>)
    %dma_wait3A_136 = arith.constant 5 : i32
    %dma_wait3A_137 = arith.constant 0 : i32
    %dma_wait3A_138 = tpu.memref_slice %arg7[%dma_wait3A_136, %dma_wait3A_137] : memref<8x64xi32, #tpu.memory_space<vmem>> -> memref<1x64xi32, #tpu.memory_space<vmem>>
    %dma_wait3A_139 = tpu.memref_squeeze %dma_wait3A_138 : memref<1x64xi32, #tpu.memory_space<vmem>> -> memref<64xi32, #tpu.memory_space<vmem>>
    %dma_wait3A_140 = tpu.memref_slice %arg3[%add3A_60] : memref<16384xi32, #tpu.memory_space<hbm>> -> memref<64xi32, #tpu.memory_space<hbm>>
    %dma_wait3A_141 = arith.constant 0 : i32
    %dma_wait3A_142 = tpu.memref_slice %arg7[%dma_wait3A_136, %dma_wait3A_141] : memref<8x64xi32, #tpu.memory_space<vmem>> -> memref<1x64xi32, #tpu.memory_space<vmem>>
    %dma_wait3A_143 = tpu.memref_squeeze %dma_wait3A_142 : memref<1x64xi32, #tpu.memory_space<vmem>> -> memref<64xi32, #tpu.memory_space<vmem>>
    %dma_wait3A_144 = tpu.memref_slice %arg3[%add3A_60] : memref<16384xi32, #tpu.memory_space<hbm>> -> memref<64xi32, #tpu.memory_space<hbm>>
    tpu.wait_dma2 semaphore(%arg15 : memref<!tpu.dma_semaphore, #tpu.memory_space<semaphore_mem>>) src(%dma_wait3A_144 : memref<64xi32, #tpu.memory_space<hbm>>) dst(%dma_wait3A_143 : memref<64xi32, #tpu.memory_space<vmem>>)
    %dma_wait3A_145 = arith.constant 6 : i32
    %dma_wait3A_146 = arith.constant 0 : i32
    %dma_wait3A_147 = tpu.memref_slice %arg7[%dma_wait3A_145, %dma_wait3A_146] : memref<8x64xi32, #tpu.memory_space<vmem>> -> memref<1x64xi32, #tpu.memory_space<vmem>>
    %dma_wait3A_148 = tpu.memref_squeeze %dma_wait3A_147 : memref<1x64xi32, #tpu.memory_space<vmem>> -> memref<64xi32, #tpu.memory_space<vmem>>
    %dma_wait3A_149 = tpu.memref_slice %arg3[%add3A_71] : memref<16384xi32, #tpu.memory_space<hbm>> -> memref<64xi32, #tpu.memory_space<hbm>>
    %dma_wait3A_150 = arith.constant 0 : i32
    %dma_wait3A_151 = tpu.memref_slice %arg7[%dma_wait3A_145, %dma_wait3A_150] : memref<8x64xi32, #tpu.memory_space<vmem>> -> memref<1x64xi32, #tpu.memory_space<vmem>>
    %dma_wait3A_152 = tpu.memref_squeeze %dma_wait3A_151 : memref<1x64xi32, #tpu.memory_space<vmem>> -> memref<64xi32, #tpu.memory_space<vmem>>
    %dma_wait3A_153 = tpu.memref_slice %arg3[%add3A_71] : memref<16384xi32, #tpu.memory_space<hbm>> -> memref<64xi32, #tpu.memory_space<hbm>>
    tpu.wait_dma2 semaphore(%arg15 : memref<!tpu.dma_semaphore, #tpu.memory_space<semaphore_mem>>) src(%dma_wait3A_153 : memref<64xi32, #tpu.memory_space<hbm>>) dst(%dma_wait3A_152 : memref<64xi32, #tpu.memory_space<vmem>>)
    %dma_wait3A_154 = arith.constant 7 : i32
    %dma_wait3A_155 = arith.constant 0 : i32
    %dma_wait3A_156 = tpu.memref_slice %arg7[%dma_wait3A_154, %dma_wait3A_155] : memref<8x64xi32, #tpu.memory_space<vmem>> -> memref<1x64xi32, #tpu.memory_space<vmem>>
    %dma_wait3A_157 = tpu.memref_squeeze %dma_wait3A_156 : memref<1x64xi32, #tpu.memory_space<vmem>> -> memref<64xi32, #tpu.memory_space<vmem>>
    %dma_wait3A_158 = tpu.memref_slice %arg3[%add3A_82] : memref<16384xi32, #tpu.memory_space<hbm>> -> memref<64xi32, #tpu.memory_space<hbm>>
    %dma_wait3A_159 = arith.constant 0 : i32
    %dma_wait3A_160 = tpu.memref_slice %arg7[%dma_wait3A_154, %dma_wait3A_159] : memref<8x64xi32, #tpu.memory_space<vmem>> -> memref<1x64xi32, #tpu.memory_space<vmem>>
    %dma_wait3A_161 = tpu.memref_squeeze %dma_wait3A_160 : memref<1x64xi32, #tpu.memory_space<vmem>> -> memref<64xi32, #tpu.memory_space<vmem>>
    %dma_wait3A_162 = tpu.memref_slice %arg3[%add3A_82] : memref<16384xi32, #tpu.memory_space<hbm>> -> memref<64xi32, #tpu.memory_space<hbm>>
    tpu.wait_dma2 semaphore(%arg15 : memref<!tpu.dma_semaphore, #tpu.memory_space<semaphore_mem>>) src(%dma_wait3A_162 : memref<64xi32, #tpu.memory_space<hbm>>) dst(%dma_wait3A_161 : memref<64xi32, #tpu.memory_space<vmem>>)
    %barrier3A = arith.constant 0 : index
    tpu.barrier barrier_id(%barrier3A)
    %add3A_163 = arith.constant 0 : i32
    %add3A_164 = arith.addi %mul3A_2, %add3A_163 : i32
    %dma_start3A_165 = arith.constant 0 : i32
    %dma_start3A_166 = arith.constant 0 : i32
    %dma_start3A_167 = arith.constant 0 : i32
    %dma_start3A_168 = arith.constant 0 : i32
    %dma_start3A_169 = tpu.memref_slice %arg10[%dma_start3A_165, %dma_start3A_167, %dma_start3A_168] : memref<4x64x128xf32, #tpu.memory_space<vmem>> -> memref<1x64x128xf32, #tpu.memory_space<vmem>>
    %dma_start3A_170 = tpu.memref_squeeze %dma_start3A_169 : memref<1x64x128xf32, #tpu.memory_space<vmem>> -> memref<64x128xf32, #tpu.memory_space<vmem>>
    %dma_start3A_171 = arith.constant 0 : i32
    %dma_start3A_172 = tpu.memref_slice %arg2[%add3A_164, %dma_start3A_171] : memref<16384x128xf32, #tpu.memory_space<hbm>> -> memref<64x128xf32, #tpu.memory_space<hbm>>
    %dma_start3A_173 = tpu.memref_slice %arg17[%dma_start3A_166] : memref<4x!tpu.dma_semaphore, #tpu.memory_space<semaphore_mem>> -> memref<1x!tpu.dma_semaphore, #tpu.memory_space<semaphore_mem>>
    %dma_start3A_174 = tpu.memref_squeeze %dma_start3A_173 : memref<1x!tpu.dma_semaphore, #tpu.memory_space<semaphore_mem>> -> memref<!tpu.dma_semaphore, #tpu.memory_space<semaphore_mem>>
    %dma_start3A_175 = arith.constant 0 : i32
    %dma_start3A_176 = arith.constant 0 : i32
    %dma_start3A_177 = tpu.memref_slice %arg10[%dma_start3A_165, %dma_start3A_175, %dma_start3A_176] : memref<4x64x128xf32, #tpu.memory_space<vmem>> -> memref<1x64x128xf32, #tpu.memory_space<vmem>>
    %dma_start3A_178 = tpu.memref_squeeze %dma_start3A_177 : memref<1x64x128xf32, #tpu.memory_space<vmem>> -> memref<64x128xf32, #tpu.memory_space<vmem>>
    %dma_start3A_179 = arith.constant 0 : i32
    %dma_start3A_180 = tpu.memref_slice %arg2[%add3A_164, %dma_start3A_179] : memref<16384x128xf32, #tpu.memory_space<hbm>> -> memref<64x128xf32, #tpu.memory_space<hbm>>
    tpu.enqueue_dma source(%dma_start3A_180 : memref<64x128xf32, #tpu.memory_space<hbm>>) target(%dma_start3A_178 : memref<64x128xf32, #tpu.memory_space<vmem>>) target_semaphore(%dma_start3A_174 : memref<!tpu.dma_semaphore, #tpu.memory_space<semaphore_mem>>)
    %dma_start3A_181 = arith.constant 0 : i32
    %dma_start3A_182 = arith.constant 0 : i32
    %dma_start3A_183 = arith.constant 0 : i32
    %dma_start3A_184 = arith.constant 0 : i32
    %dma_start3A_185 = arith.constant 0 : i32
    %dma_start3A_186 = tpu.memref_slice %arg11[%dma_start3A_182, %dma_start3A_184, %dma_start3A_185] : memref<4x64x128xf32, #tpu.memory_space<vmem>> -> memref<1x64x128xf32, #tpu.memory_space<vmem>>
    %dma_start3A_187 = tpu.memref_squeeze %dma_start3A_186 : memref<1x64x128xf32, #tpu.memory_space<vmem>> -> memref<64x128xf32, #tpu.memory_space<vmem>>
    %dma_start3A_188 = arith.constant 0 : i32
    %dma_start3A_189 = tpu.memref_slice %arg7[%dma_start3A_181, %dma_start3A_188] : memref<8x64xi32, #tpu.memory_space<vmem>> -> memref<1x64xi32, #tpu.memory_space<vmem>>
    %dma_start3A_190 = tpu.memref_squeeze %dma_start3A_189 : memref<1x64xi32, #tpu.memory_space<vmem>> -> memref<64xi32, #tpu.memory_space<vmem>>
    %dma_start3A_191 = arith.constant 0 : i32
    %dma_start3A_192 = arith.constant 0 : i32
    %dma_start3A_193 = tpu.memref_slice %arg13[%dma_start3A_191, %dma_start3A_192] : memref<1000x128xf32, #tpu.memory_space<vmem_shared>> -> memref<1000x128xf32, #tpu.memory_space<vmem_shared>>
    %dma_start3A_194 = tpu.memref_slice %arg18[%dma_start3A_183] : memref<4x!tpu.dma_semaphore, #tpu.memory_space<semaphore_mem>> -> memref<1x!tpu.dma_semaphore, #tpu.memory_space<semaphore_mem>>
    %dma_start3A_195 = tpu.memref_squeeze %dma_start3A_194 : memref<1x!tpu.dma_semaphore, #tpu.memory_space<semaphore_mem>> -> memref<!tpu.dma_semaphore, #tpu.memory_space<semaphore_mem>>
    tpu.enqueue_indirect_dma source(%dma_start3A_193 : memref<1000x128xf32, #tpu.memory_space<vmem_shared>>) target(%dma_start3A_187 : memref<64x128xf32, #tpu.memory_space<vmem>>) offsets(%dma_start3A_190 : memref<64xi32, #tpu.memory_space<vmem>>) semaphore(%dma_start3A_195 : memref<!tpu.dma_semaphore, #tpu.memory_space<semaphore_mem>>)
    %add3A_196 = arith.constant 64 : i32
    %add3A_197 = arith.addi %mul3A_2, %add3A_196 : i32
    %dma_start3A_198 = arith.constant 1 : i32
    %dma_start3A_199 = arith.constant 1 : i32
    %dma_start3A_200 = arith.constant 0 : i32
    %dma_start3A_201 = arith.constant 0 : i32
    %dma_start3A_202 = tpu.memref_slice %arg10[%dma_start3A_198, %dma_start3A_200, %dma_start3A_201] : memref<4x64x128xf32, #tpu.memory_space<vmem>> -> memref<1x64x128xf32, #tpu.memory_space<vmem>>
    %dma_start3A_203 = tpu.memref_squeeze %dma_start3A_202 : memref<1x64x128xf32, #tpu.memory_space<vmem>> -> memref<64x128xf32, #tpu.memory_space<vmem>>
    %dma_start3A_204 = arith.constant 0 : i32
    %dma_start3A_205 = tpu.memref_slice %arg2[%add3A_197, %dma_start3A_204] : memref<16384x128xf32, #tpu.memory_space<hbm>> -> memref<64x128xf32, #tpu.memory_space<hbm>>
    %dma_start3A_206 = tpu.memref_slice %arg17[%dma_start3A_199] : memref<4x!tpu.dma_semaphore, #tpu.memory_space<semaphore_mem>> -> memref<1x!tpu.dma_semaphore, #tpu.memory_space<semaphore_mem>>
    %dma_start3A_207 = tpu.memref_squeeze %dma_start3A_206 : memref<1x!tpu.dma_semaphore, #tpu.memory_space<semaphore_mem>> -> memref<!tpu.dma_semaphore, #tpu.memory_space<semaphore_mem>>
    %dma_start3A_208 = arith.constant 0 : i32
    %dma_start3A_209 = arith.constant 0 : i32
    %dma_start3A_210 = tpu.memref_slice %arg10[%dma_start3A_198, %dma_start3A_208, %dma_start3A_209] : memref<4x64x128xf32, #tpu.memory_space<vmem>> -> memref<1x64x128xf32, #tpu.memory_space<vmem>>
    %dma_start3A_211 = tpu.memref_squeeze %dma_start3A_210 : memref<1x64x128xf32, #tpu.memory_space<vmem>> -> memref<64x128xf32, #tpu.memory_space<vmem>>
    %dma_start3A_212 = arith.constant 0 : i32
    %dma_start3A_213 = tpu.memref_slice %arg2[%add3A_197, %dma_start3A_212] : memref<16384x128xf32, #tpu.memory_space<hbm>> -> memref<64x128xf32, #tpu.memory_space<hbm>>
    tpu.enqueue_dma source(%dma_start3A_213 : memref<64x128xf32, #tpu.memory_space<hbm>>) target(%dma_start3A_211 : memref<64x128xf32, #tpu.memory_space<vmem>>) target_semaphore(%dma_start3A_207 : memref<!tpu.dma_semaphore, #tpu.memory_space<semaphore_mem>>)
    %dma_start3A_214 = arith.constant 1 : i32
    %dma_start3A_215 = arith.constant 1 : i32
    %dma_start3A_216 = arith.constant 1 : i32
    %dma_start3A_217 = arith.constant 0 : i32
    %dma_start3A_218 = arith.constant 0 : i32
    %dma_start3A_219 = tpu.memref_slice %arg11[%dma_start3A_215, %dma_start3A_217, %dma_start3A_218] : memref<4x64x128xf32, #tpu.memory_space<vmem>> -> memref<1x64x128xf32, #tpu.memory_space<vmem>>
    %dma_start3A_220 = tpu.memref_squeeze %dma_start3A_219 : memref<1x64x128xf32, #tpu.memory_space<vmem>> -> memref<64x128xf32, #tpu.memory_space<vmem>>
    %dma_start3A_221 = arith.constant 0 : i32
    %dma_start3A_222 = tpu.memref_slice %arg7[%dma_start3A_214, %dma_start3A_221] : memref<8x64xi32, #tpu.memory_space<vmem>> -> memref<1x64xi32, #tpu.memory_space<vmem>>
    %dma_start3A_223 = tpu.memref_squeeze %dma_start3A_222 : memref<1x64xi32, #tpu.memory_space<vmem>> -> memref<64xi32, #tpu.memory_space<vmem>>
    %dma_start3A_224 = arith.constant 0 : i32
    %dma_start3A_225 = arith.constant 0 : i32
    %dma_start3A_226 = tpu.memref_slice %arg13[%dma_start3A_224, %dma_start3A_225] : memref<1000x128xf32, #tpu.memory_space<vmem_shared>> -> memref<1000x128xf32, #tpu.memory_space<vmem_shared>>
    %dma_start3A_227 = tpu.memref_slice %arg18[%dma_start3A_216] : memref<4x!tpu.dma_semaphore, #tpu.memory_space<semaphore_mem>> -> memref<1x!tpu.dma_semaphore, #tpu.memory_space<semaphore_mem>>
    %dma_start3A_228 = tpu.memref_squeeze %dma_start3A_227 : memref<1x!tpu.dma_semaphore, #tpu.memory_space<semaphore_mem>> -> memref<!tpu.dma_semaphore, #tpu.memory_space<semaphore_mem>>
    tpu.enqueue_indirect_dma source(%dma_start3A_226 : memref<1000x128xf32, #tpu.memory_space<vmem_shared>>) target(%dma_start3A_220 : memref<64x128xf32, #tpu.memory_space<vmem>>) offsets(%dma_start3A_223 : memref<64xi32, #tpu.memory_space<vmem>>) semaphore(%dma_start3A_228 : memref<!tpu.dma_semaphore, #tpu.memory_space<semaphore_mem>>)
    %add3A_229 = arith.constant 128 : i32
    %add3A_230 = arith.addi %mul3A_2, %add3A_229 : i32
    %dma_start3A_231 = arith.constant 2 : i32
    %dma_start3A_232 = arith.constant 2 : i32
    %dma_start3A_233 = arith.constant 0 : i32
    %dma_start3A_234 = arith.constant 0 : i32
    %dma_start3A_235 = tpu.memref_slice %arg10[%dma_start3A_231, %dma_start3A_233, %dma_start3A_234] : memref<4x64x128xf32, #tpu.memory_space<vmem>> -> memref<1x64x128xf32, #tpu.memory_space<vmem>>
    %dma_start3A_236 = tpu.memref_squeeze %dma_start3A_235 : memref<1x64x128xf32, #tpu.memory_space<vmem>> -> memref<64x128xf32, #tpu.memory_space<vmem>>
    %dma_start3A_237 = arith.constant 0 : i32
    %dma_start3A_238 = tpu.memref_slice %arg2[%add3A_230, %dma_start3A_237] : memref<16384x128xf32, #tpu.memory_space<hbm>> -> memref<64x128xf32, #tpu.memory_space<hbm>>
    %dma_start3A_239 = tpu.memref_slice %arg17[%dma_start3A_232] : memref<4x!tpu.dma_semaphore, #tpu.memory_space<semaphore_mem>> -> memref<1x!tpu.dma_semaphore, #tpu.memory_space<semaphore_mem>>
    %dma_start3A_240 = tpu.memref_squeeze %dma_start3A_239 : memref<1x!tpu.dma_semaphore, #tpu.memory_space<semaphore_mem>> -> memref<!tpu.dma_semaphore, #tpu.memory_space<semaphore_mem>>
    %dma_start3A_241 = arith.constant 0 : i32
    %dma_start3A_242 = arith.constant 0 : i32
    %dma_start3A_243 = tpu.memref_slice %arg10[%dma_start3A_231, %dma_start3A_241, %dma_start3A_242] : memref<4x64x128xf32, #tpu.memory_space<vmem>> -> memref<1x64x128xf32, #tpu.memory_space<vmem>>
    %dma_start3A_244 = tpu.memref_squeeze %dma_start3A_243 : memref<1x64x128xf32, #tpu.memory_space<vmem>> -> memref<64x128xf32, #tpu.memory_space<vmem>>
    %dma_start3A_245 = arith.constant 0 : i32
    %dma_start3A_246 = tpu.memref_slice %arg2[%add3A_230, %dma_start3A_245] : memref<16384x128xf32, #tpu.memory_space<hbm>> -> memref<64x128xf32, #tpu.memory_space<hbm>>
    tpu.enqueue_dma source(%dma_start3A_246 : memref<64x128xf32, #tpu.memory_space<hbm>>) target(%dma_start3A_244 : memref<64x128xf32, #tpu.memory_space<vmem>>) target_semaphore(%dma_start3A_240 : memref<!tpu.dma_semaphore, #tpu.memory_space<semaphore_mem>>)
    %dma_start3A_247 = arith.constant 2 : i32
    %dma_start3A_248 = arith.constant 2 : i32
    %dma_start3A_249 = arith.constant 2 : i32
    %dma_start3A_250 = arith.constant 0 : i32
    %dma_start3A_251 = arith.constant 0 : i32
    %dma_start3A_252 = tpu.memref_slice %arg11[%dma_start3A_248, %dma_start3A_250, %dma_start3A_251] : memref<4x64x128xf32, #tpu.memory_space<vmem>> -> memref<1x64x128xf32, #tpu.memory_space<vmem>>
    %dma_start3A_253 = tpu.memref_squeeze %dma_start3A_252 : memref<1x64x128xf32, #tpu.memory_space<vmem>> -> memref<64x128xf32, #tpu.memory_space<vmem>>
    %dma_start3A_254 = arith.constant 0 : i32
    %dma_start3A_255 = tpu.memref_slice %arg7[%dma_start3A_247, %dma_start3A_254] : memref<8x64xi32, #tpu.memory_space<vmem>> -> memref<1x64xi32, #tpu.memory_space<vmem>>
    %dma_start3A_256 = tpu.memref_squeeze %dma_start3A_255 : memref<1x64xi32, #tpu.memory_space<vmem>> -> memref<64xi32, #tpu.memory_space<vmem>>
    %dma_start3A_257 = arith.constant 0 : i32
    %dma_start3A_258 = arith.constant 0 : i32
    %dma_start3A_259 = tpu.memref_slice %arg13[%dma_start3A_257, %dma_start3A_258] : memref<1000x128xf32, #tpu.memory_space<vmem_shared>> -> memref<1000x128xf32, #tpu.memory_space<vmem_shared>>
    %dma_start3A_260 = tpu.memref_slice %arg18[%dma_start3A_249] : memref<4x!tpu.dma_semaphore, #tpu.memory_space<semaphore_mem>> -> memref<1x!tpu.dma_semaphore, #tpu.memory_space<semaphore_mem>>
    %dma_start3A_261 = tpu.memref_squeeze %dma_start3A_260 : memref<1x!tpu.dma_semaphore, #tpu.memory_space<semaphore_mem>> -> memref<!tpu.dma_semaphore, #tpu.memory_space<semaphore_mem>>
    tpu.enqueue_indirect_dma source(%dma_start3A_259 : memref<1000x128xf32, #tpu.memory_space<vmem_shared>>) target(%dma_start3A_253 : memref<64x128xf32, #tpu.memory_space<vmem>>) offsets(%dma_start3A_256 : memref<64xi32, #tpu.memory_space<vmem>>) semaphore(%dma_start3A_261 : memref<!tpu.dma_semaphore, #tpu.memory_space<semaphore_mem>>)
    %add3A_262 = arith.constant 192 : i32
    %add3A_263 = arith.addi %mul3A_2, %add3A_262 : i32
    %dma_start3A_264 = arith.constant 3 : i32
    %dma_start3A_265 = arith.constant 3 : i32
    %dma_start3A_266 = arith.constant 0 : i32
    %dma_start3A_267 = arith.constant 0 : i32
    %dma_start3A_268 = tpu.memref_slice %arg10[%dma_start3A_264, %dma_start3A_266, %dma_start3A_267] : memref<4x64x128xf32, #tpu.memory_space<vmem>> -> memref<1x64x128xf32, #tpu.memory_space<vmem>>
    %dma_start3A_269 = tpu.memref_squeeze %dma_start3A_268 : memref<1x64x128xf32, #tpu.memory_space<vmem>> -> memref<64x128xf32, #tpu.memory_space<vmem>>
    %dma_start3A_270 = arith.constant 0 : i32
    %dma_start3A_271 = tpu.memref_slice %arg2[%add3A_263, %dma_start3A_270] : memref<16384x128xf32, #tpu.memory_space<hbm>> -> memref<64x128xf32, #tpu.memory_space<hbm>>
    %dma_start3A_272 = tpu.memref_slice %arg17[%dma_start3A_265] : memref<4x!tpu.dma_semaphore, #tpu.memory_space<semaphore_mem>> -> memref<1x!tpu.dma_semaphore, #tpu.memory_space<semaphore_mem>>
    %dma_start3A_273 = tpu.memref_squeeze %dma_start3A_272 : memref<1x!tpu.dma_semaphore, #tpu.memory_space<semaphore_mem>> -> memref<!tpu.dma_semaphore, #tpu.memory_space<semaphore_mem>>
    %dma_start3A_274 = arith.constant 0 : i32
    %dma_start3A_275 = arith.constant 0 : i32
    %dma_start3A_276 = tpu.memref_slice %arg10[%dma_start3A_264, %dma_start3A_274, %dma_start3A_275] : memref<4x64x128xf32, #tpu.memory_space<vmem>> -> memref<1x64x128xf32, #tpu.memory_space<vmem>>
    %dma_start3A_277 = tpu.memref_squeeze %dma_start3A_276 : memref<1x64x128xf32, #tpu.memory_space<vmem>> -> memref<64x128xf32, #tpu.memory_space<vmem>>
    %dma_start3A_278 = arith.constant 0 : i32
    %dma_start3A_279 = tpu.memref_slice %arg2[%add3A_263, %dma_start3A_278] : memref<16384x128xf32, #tpu.memory_space<hbm>> -> memref<64x128xf32, #tpu.memory_space<hbm>>
    tpu.enqueue_dma source(%dma_start3A_279 : memref<64x128xf32, #tpu.memory_space<hbm>>) target(%dma_start3A_277 : memref<64x128xf32, #tpu.memory_space<vmem>>) target_semaphore(%dma_start3A_273 : memref<!tpu.dma_semaphore, #tpu.memory_space<semaphore_mem>>)
    %dma_start3A_280 = arith.constant 3 : i32
    %dma_start3A_281 = arith.constant 3 : i32
    %dma_start3A_282 = arith.constant 3 : i32
    %dma_start3A_283 = arith.constant 0 : i32
    %dma_start3A_284 = arith.constant 0 : i32
    %dma_start3A_285 = tpu.memref_slice %arg11[%dma_start3A_281, %dma_start3A_283, %dma_start3A_284] : memref<4x64x128xf32, #tpu.memory_space<vmem>> -> memref<1x64x128xf32, #tpu.memory_space<vmem>>
    %dma_start3A_286 = tpu.memref_squeeze %dma_start3A_285 : memref<1x64x128xf32, #tpu.memory_space<vmem>> -> memref<64x128xf32, #tpu.memory_space<vmem>>
    %dma_start3A_287 = arith.constant 0 : i32
    %dma_start3A_288 = tpu.memref_slice %arg7[%dma_start3A_280, %dma_start3A_287] : memref<8x64xi32, #tpu.memory_space<vmem>> -> memref<1x64xi32, #tpu.memory_space<vmem>>
    %dma_start3A_289 = tpu.memref_squeeze %dma_start3A_288 : memref<1x64xi32, #tpu.memory_space<vmem>> -> memref<64xi32, #tpu.memory_space<vmem>>
    %dma_start3A_290 = arith.constant 0 : i32
    %dma_start3A_291 = arith.constant 0 : i32
    %dma_start3A_292 = tpu.memref_slice %arg13[%dma_start3A_290, %dma_start3A_291] : memref<1000x128xf32, #tpu.memory_space<vmem_shared>> -> memref<1000x128xf32, #tpu.memory_space<vmem_shared>>
    %dma_start3A_293 = tpu.memref_slice %arg18[%dma_start3A_282] : memref<4x!tpu.dma_semaphore, #tpu.memory_space<semaphore_mem>> -> memref<1x!tpu.dma_semaphore, #tpu.memory_space<semaphore_mem>>
    %dma_start3A_294 = tpu.memref_squeeze %dma_start3A_293 : memref<1x!tpu.dma_semaphore, #tpu.memory_space<semaphore_mem>> -> memref<!tpu.dma_semaphore, #tpu.memory_space<semaphore_mem>>
    tpu.enqueue_indirect_dma source(%dma_start3A_292 : memref<1000x128xf32, #tpu.memory_space<vmem_shared>>) target(%dma_start3A_286 : memref<64x128xf32, #tpu.memory_space<vmem>>) offsets(%dma_start3A_289 : memref<64xi32, #tpu.memory_space<vmem>>) semaphore(%dma_start3A_294 : memref<!tpu.dma_semaphore, #tpu.memory_space<semaphore_mem>>)
    tpu.wait_dma2 semaphore(%arg14 : memref<!tpu.dma_semaphore, #tpu.memory_space<semaphore_mem>>) src(%arg5 : memref<1000xf32, #tpu.memory_space<hbm>>) dst(%arg8 : memref<1000xf32, #tpu.memory_space<vmem>>)
    %scan3A = arith.constant 0 : i32
    %scan3A_295 = arith.constant 0 : i32
    %scan3A_296 = arith.constant 8 : i32
    %scan3A_297 = arith.addi %scan3A_295, %scan3A_296 : i32
    %scan3A_298 = arith.constant 1 : i32
    scf.for %scan3A_372 = %scan3A_295 to %scan3A_297 step %scan3A_298  : i32 {
      %rem3A = arith.constant 4 : i32
      %rem3A_373 = arith.remsi %scan3A_372, %rem3A : i32
      %mul3A_374 = arith.constant 64 : i32
      %mul3A_375 = arith.muli %scan3A_372, %mul3A_374 : i32
      %add3A_376 = arith.addi %mul3A_2, %mul3A_375 : i32
      %dma_wait3A_377 = arith.constant 0 : i32
      %dma_wait3A_378 = arith.constant 0 : i32
      %dma_wait3A_379 = tpu.memref_slice %arg10[%rem3A_373, %dma_wait3A_377, %dma_wait3A_378] : memref<4x64x128xf32, #tpu.memory_space<vmem>> -> memref<1x64x128xf32, #tpu.memory_space<vmem>>
      %dma_wait3A_380 = tpu.memref_squeeze %dma_wait3A_379 : memref<1x64x128xf32, #tpu.memory_space<vmem>> -> memref<64x128xf32, #tpu.memory_space<vmem>>
      %dma_wait3A_381 = arith.constant 0 : i32
      %dma_wait3A_382 = tpu.memref_slice %arg2[%add3A_376, %dma_wait3A_381] : memref<16384x128xf32, #tpu.memory_space<hbm>> -> memref<64x128xf32, #tpu.memory_space<hbm>>
      %dma_wait3A_383 = tpu.memref_slice %arg17[%rem3A_373] : memref<4x!tpu.dma_semaphore, #tpu.memory_space<semaphore_mem>> -> memref<1x!tpu.dma_semaphore, #tpu.memory_space<semaphore_mem>>
      %dma_wait3A_384 = tpu.memref_squeeze %dma_wait3A_383 : memref<1x!tpu.dma_semaphore, #tpu.memory_space<semaphore_mem>> -> memref<!tpu.dma_semaphore, #tpu.memory_space<semaphore_mem>>
      %dma_wait3A_385 = arith.constant 0 : i32
      %dma_wait3A_386 = arith.constant 0 : i32
      %dma_wait3A_387 = tpu.memref_slice %arg10[%rem3A_373, %dma_wait3A_385, %dma_wait3A_386] : memref<4x64x128xf32, #tpu.memory_space<vmem>> -> memref<1x64x128xf32, #tpu.memory_space<vmem>>
      %dma_wait3A_388 = tpu.memref_squeeze %dma_wait3A_387 : memref<1x64x128xf32, #tpu.memory_space<vmem>> -> memref<64x128xf32, #tpu.memory_space<vmem>>
      %dma_wait3A_389 = arith.constant 0 : i32
      %dma_wait3A_390 = tpu.memref_slice %arg2[%add3A_376, %dma_wait3A_389] : memref<16384x128xf32, #tpu.memory_space<hbm>> -> memref<64x128xf32, #tpu.memory_space<hbm>>
      tpu.wait_dma2 semaphore(%dma_wait3A_384 : memref<!tpu.dma_semaphore, #tpu.memory_space<semaphore_mem>>) src(%dma_wait3A_390 : memref<64x128xf32, #tpu.memory_space<hbm>>) dst(%dma_wait3A_388 : memref<64x128xf32, #tpu.memory_space<vmem>>)
      %dma_wait3A_391 = arith.constant 0 : i32
      %dma_wait3A_392 = arith.constant 0 : i32
      %dma_wait3A_393 = tpu.memref_slice %arg11[%rem3A_373, %dma_wait3A_391, %dma_wait3A_392] : memref<4x64x128xf32, #tpu.memory_space<vmem>> -> memref<1x64x128xf32, #tpu.memory_space<vmem>>
      %dma_wait3A_394 = tpu.memref_squeeze %dma_wait3A_393 : memref<1x64x128xf32, #tpu.memory_space<vmem>> -> memref<64x128xf32, #tpu.memory_space<vmem>>
      %dma_wait3A_395 = arith.constant 0 : i32
      %dma_wait3A_396 = tpu.memref_slice %arg7[%scan3A_372, %dma_wait3A_395] : memref<8x64xi32, #tpu.memory_space<vmem>> -> memref<1x64xi32, #tpu.memory_space<vmem>>
      %dma_wait3A_397 = tpu.memref_squeeze %dma_wait3A_396 : memref<1x64xi32, #tpu.memory_space<vmem>> -> memref<64xi32, #tpu.memory_space<vmem>>
      %dma_wait3A_398 = arith.constant 0 : i32
      %dma_wait3A_399 = arith.constant 0 : i32
      %dma_wait3A_400 = tpu.memref_slice %arg13[%dma_wait3A_398, %dma_wait3A_399] : memref<1000x128xf32, #tpu.memory_space<vmem_shared>> -> memref<1000x128xf32, #tpu.memory_space<vmem_shared>>
      %dma_wait3A_401 = tpu.memref_slice %arg18[%rem3A_373] : memref<4x!tpu.dma_semaphore, #tpu.memory_space<semaphore_mem>> -> memref<1x!tpu.dma_semaphore, #tpu.memory_space<semaphore_mem>>
      %dma_wait3A_402 = tpu.memref_squeeze %dma_wait3A_401 : memref<1x!tpu.dma_semaphore, #tpu.memory_space<semaphore_mem>> -> memref<!tpu.dma_semaphore, #tpu.memory_space<semaphore_mem>>
      tpu.wait_indirect_dma semaphore(%dma_wait3A_402 : memref<!tpu.dma_semaphore, #tpu.memory_space<semaphore_mem>>) src(%dma_wait3A_400 : memref<1000x128xf32, #tpu.memory_space<vmem_shared>>) dst(%dma_wait3A_394 : memref<64x128xf32, #tpu.memory_space<vmem>>)
      %ge3A = arith.constant 4 : i32
      %ge3A_403 = arith.cmpi sge, %scan3A_372, %ge3A : i32
      %convert_element_type3A_404 = arith.extui %ge3A_403 : i1 to i32
      %cond3A_405 = arith.constant 0 : i32
      %cond3A_406 = arith.cmpi ne, %convert_element_type3A_404, %cond3A_405 : i32
      scf.if %cond3A_406 {
        %sub3A = arith.constant 4 : i32
        %sub3A_436 = arith.subi %scan3A_372, %sub3A : i32
        %mul3A_437 = arith.constant 64 : i32
        %mul3A_438 = arith.muli %sub3A_436, %mul3A_437 : i32
        %add3A_439 = arith.addi %mul3A_2, %mul3A_438 : i32
        %dma_wait3A_440 = arith.constant 0 : i32
        %dma_wait3A_441 = arith.constant 0 : i32
        %dma_wait3A_442 = tpu.memref_slice %arg12[%rem3A_373, %dma_wait3A_440, %dma_wait3A_441] : memref<4x64x128xf32, #tpu.memory_space<vmem>> -> memref<1x64x128xf32, #tpu.memory_space<vmem>>
        %dma_wait3A_443 = tpu.memref_squeeze %dma_wait3A_442 : memref<1x64x128xf32, #tpu.memory_space<vmem>> -> memref<64x128xf32, #tpu.memory_space<vmem>>
        %dma_wait3A_444 = arith.constant 0 : i32
        %dma_wait3A_445 = tpu.memref_slice %arg6[%add3A_439, %dma_wait3A_444] : memref<16384x128xf32, #tpu.memory_space<hbm>> -> memref<64x128xf32, #tpu.memory_space<hbm>>
        %dma_wait3A_446 = tpu.memref_slice %arg19[%rem3A_373] : memref<4x!tpu.dma_semaphore, #tpu.memory_space<semaphore_mem>> -> memref<1x!tpu.dma_semaphore, #tpu.memory_space<semaphore_mem>>
        %dma_wait3A_447 = tpu.memref_squeeze %dma_wait3A_446 : memref<1x!tpu.dma_semaphore, #tpu.memory_space<semaphore_mem>> -> memref<!tpu.dma_semaphore, #tpu.memory_space<semaphore_mem>>
        %dma_wait3A_448 = arith.constant 0 : i32
        %dma_wait3A_449 = tpu.memref_slice %arg6[%add3A_439, %dma_wait3A_448] : memref<16384x128xf32, #tpu.memory_space<hbm>> -> memref<64x128xf32, #tpu.memory_space<hbm>>
        %dma_wait3A_450 = arith.constant 0 : i32
        %dma_wait3A_451 = arith.constant 0 : i32
        %dma_wait3A_452 = tpu.memref_slice %arg12[%rem3A_373, %dma_wait3A_450, %dma_wait3A_451] : memref<4x64x128xf32, #tpu.memory_space<vmem>> -> memref<1x64x128xf32, #tpu.memory_space<vmem>>
        %dma_wait3A_453 = tpu.memref_squeeze %dma_wait3A_452 : memref<1x64x128xf32, #tpu.memory_space<vmem>> -> memref<64x128xf32, #tpu.memory_space<vmem>>
        tpu.wait_dma2 semaphore(%dma_wait3A_447 : memref<!tpu.dma_semaphore, #tpu.memory_space<semaphore_mem>>) src(%dma_wait3A_453 : memref<64x128xf32, #tpu.memory_space<vmem>>) dst(%dma_wait3A_449 : memref<64x128xf32, #tpu.memory_space<hbm>>)
      } else {
      }
      %parallel_loop3A = arith.constant 0 : i32
      %parallel_loop3A_407 = arith.constant 4 : i32
      %parallel_loop3A_408 = arith.constant 1 : i32
      scf.for %parallel_loop3A_436 = %parallel_loop3A to %parallel_loop3A_407 step %parallel_loop3A_408  : i32 {
        %parallel_loop3A_437 = arith.constant 16 : i32
        %parallel_loop3A_438 = arith.muli %parallel_loop3A_436, %parallel_loop3A_437 : i32
        %parallel_loop3A_439 = arith.index_cast %scan3A_372 : i32 to index
        %parallel_loop3A_440 = arith.index_cast %parallel_loop3A_438 : i32 to index
        %parallel_loop3A_441 = tpu.vector_load %arg7[%parallel_loop3A_439, %parallel_loop3A_440] {strides = array<i32>} : memref<8x64xi32, #tpu.memory_space<vmem>>, vector<16xi32>,
        %parallel_loop3A_442 = tpu.vector_load_idx %arg8[%parallel_loop3A_441] : memref<1000xf32, #tpu.memory_space<vmem>>[vector<16xi32>], vector<16xf32>,
        %parallel_loop3A_443 = arith.constant 16 : i32
        %parallel_loop3A_444 = arith.muli %parallel_loop3A_436, %parallel_loop3A_443 : i32
        %parallel_loop3A_445 = arith.index_cast %parallel_loop3A_444 : i32 to index
        %parallel_loop3A_446 = tpu.vector_load %arg9[%parallel_loop3A_445] {strides = array<i32>} : memref<64xf32, #tpu.memory_space<vmem>>, vector<16xf32>,
        tpu.vector_store %arg9[%parallel_loop3A_445], %parallel_loop3A_442 {strides = array<i32>} : memref<64xf32, #tpu.memory_space<vmem>>, vector<16xf32>,
      } {sc.loop_unroll_factor = 1 : i64, sc.parallel_access}
      %parallel_loop3A_409 = arith.constant 0 : i32
      %parallel_loop3A_410 = arith.constant 64 : i32
      %parallel_loop3A_411 = arith.constant 1 : i32
      scf.for %parallel_loop3A_436 = %parallel_loop3A_409 to %parallel_loop3A_410 step %parallel_loop3A_411  : i32 {
        %parallel_loop3A_437 = vector.broadcast %parallel_loop3A_436 : i32 to vector<16xi32>
        %parallel_loop3A_438 = tpu.vector_load_idx %arg9[%parallel_loop3A_437] : memref<64xf32, #tpu.memory_space<vmem>>[vector<16xi32>], vector<16xf32>,
        %parallel_loop3A_439 = arith.index_cast %rem3A_373 : i32 to index
        %parallel_loop3A_440 = arith.index_cast %parallel_loop3A_436 : i32 to index
        %parallel_loop3A_441 = arith.constant 0 : index
        %parallel_loop3A_442 = tpu.vector_load %arg10[%parallel_loop3A_439, %parallel_loop3A_440, %parallel_loop3A_441] {strides = array<i32>} : memref<4x64x128xf32, #tpu.memory_space<vmem>>, vector<16xf32>,
        %parallel_loop3A_443 = arith.mulf %parallel_loop3A_442, %parallel_loop3A_438 : vector<16xf32>
        %parallel_loop3A_444 = arith.index_cast %rem3A_373 : i32 to index
        %parallel_loop3A_445 = arith.index_cast %parallel_loop3A_436 : i32 to index
        %parallel_loop3A_446 = arith.constant 0 : index
        %parallel_loop3A_447 = tpu.vector_load %arg11[%parallel_loop3A_444, %parallel_loop3A_445, %parallel_loop3A_446] {strides = array<i32>} : memref<4x64x128xf32, #tpu.memory_space<vmem>>, vector<16xf32>,
        %parallel_loop3A_448 = arith.addf %parallel_loop3A_443, %parallel_loop3A_447 : vector<16xf32>
        %parallel_loop3A_449 = arith.index_cast %rem3A_373 : i32 to index
        %parallel_loop3A_450 = arith.index_cast %parallel_loop3A_436 : i32 to index
        %parallel_loop3A_451 = arith.constant 0 : index
        %parallel_loop3A_452 = tpu.vector_load %arg12[%parallel_loop3A_449, %parallel_loop3A_450, %parallel_loop3A_451] {strides = array<i32>} : memref<4x64x128xf32, #tpu.memory_space<vmem>>, vector<16xf32>,
        tpu.vector_store %arg12[%parallel_loop3A_449, %parallel_loop3A_450, %parallel_loop3A_451], %parallel_loop3A_448 {strides = array<i32>} : memref<4x64x128xf32, #tpu.memory_space<vmem>>, vector<16xf32>,
        %parallel_loop3A_453 = arith.index_cast %rem3A_373 : i32 to index
        %parallel_loop3A_454 = arith.index_cast %parallel_loop3A_436 : i32 to index
        %parallel_loop3A_455 = arith.constant 16 : index
        %parallel_loop3A_456 = tpu.vector_load %arg10[%parallel_loop3A_453, %parallel_loop3A_454, %parallel_loop3A_455] {strides = array<i32>} : memref<4x64x128xf32, #tpu.memory_space<vmem>>, vector<16xf32>,
        %parallel_loop3A_457 = arith.mulf %parallel_loop3A_456, %parallel_loop3A_438 : vector<16xf32>
        %parallel_loop3A_458 = arith.index_cast %rem3A_373 : i32 to index
        %parallel_loop3A_459 = arith.index_cast %parallel_loop3A_436 : i32 to index
        %parallel_loop3A_460 = arith.constant 16 : index
        %parallel_loop3A_461 = tpu.vector_load %arg11[%parallel_loop3A_458, %parallel_loop3A_459, %parallel_loop3A_460] {strides = array<i32>} : memref<4x64x128xf32, #tpu.memory_space<vmem>>, vector<16xf32>,
        %parallel_loop3A_462 = arith.addf %parallel_loop3A_457, %parallel_loop3A_461 : vector<16xf32>
        %parallel_loop3A_463 = arith.index_cast %rem3A_373 : i32 to index
        %parallel_loop3A_464 = arith.index_cast %parallel_loop3A_436 : i32 to index
        %parallel_loop3A_465 = arith.constant 16 : index
        %parallel_loop3A_466 = tpu.vector_load %arg12[%parallel_loop3A_463, %parallel_loop3A_464, %parallel_loop3A_465] {strides = array<i32>} : memref<4x64x128xf32, #tpu.memory_space<vmem>>, vector<16xf32>,
        tpu.vector_store %arg12[%parallel_loop3A_463, %parallel_loop3A_464, %parallel_loop3A_465], %parallel_loop3A_462 {strides = array<i32>} : memref<4x64x128xf32, #tpu.memory_space<vmem>>, vector<16xf32>,
        %parallel_loop3A_467 = arith.index_cast %rem3A_373 : i32 to index
        %parallel_loop3A_468 = arith.index_cast %parallel_loop3A_436 : i32 to index
        %parallel_loop3A_469 = arith.constant 32 : index
        %parallel_loop3A_470 = tpu.vector_load %arg10[%parallel_loop3A_467, %parallel_loop3A_468, %parallel_loop3A_469] {strides = array<i32>} : memref<4x64x128xf32, #tpu.memory_space<vmem>>, vector<16xf32>,
        %parallel_loop3A_471 = arith.mulf %parallel_loop3A_470, %parallel_loop3A_438 : vector<16xf32>
        %parallel_loop3A_472 = arith.index_cast %rem3A_373 : i32 to index
        %parallel_loop3A_473 = arith.index_cast %parallel_loop3A_436 : i32 to index
        %parallel_loop3A_474 = arith.constant 32 : index
        %parallel_loop3A_475 = tpu.vector_load %arg11[%parallel_loop3A_472, %parallel_loop3A_473, %parallel_loop3A_474] {strides = array<i32>} : memref<4x64x128xf32, #tpu.memory_space<vmem>>, vector<16xf32>,
        %parallel_loop3A_476 = arith.addf %parallel_loop3A_471, %parallel_loop3A_475 : vector<16xf32>
        %parallel_loop3A_477 = arith.index_cast %rem3A_373 : i32 to index
        %parallel_loop3A_478 = arith.index_cast %parallel_loop3A_436 : i32 to index
        %parallel_loop3A_479 = arith.constant 32 : index
        %parallel_loop3A_480 = tpu.vector_load %arg12[%parallel_loop3A_477, %parallel_loop3A_478, %parallel_loop3A_479] {strides = array<i32>} : memref<4x64x128xf32, #tpu.memory_space<vmem>>, vector<16xf32>,
        tpu.vector_store %arg12[%parallel_loop3A_477, %parallel_loop3A_478, %parallel_loop3A_479], %parallel_loop3A_476 {strides = array<i32>} : memref<4x64x128xf32, #tpu.memory_space<vmem>>, vector<16xf32>,
        %parallel_loop3A_481 = arith.index_cast %rem3A_373 : i32 to index
        %parallel_loop3A_482 = arith.index_cast %parallel_loop3A_436 : i32 to index
        %parallel_loop3A_483 = arith.constant 48 : index
        %parallel_loop3A_484 = tpu.vector_load %arg10[%parallel_loop3A_481, %parallel_loop3A_482, %parallel_loop3A_483] {strides = array<i32>} : memref<4x64x128xf32, #tpu.memory_space<vmem>>, vector<16xf32>,
        %parallel_loop3A_485 = arith.mulf %parallel_loop3A_484, %parallel_loop3A_438 : vector<16xf32>
        %parallel_loop3A_486 = arith.index_cast %rem3A_373 : i32 to index
        %parallel_loop3A_487 = arith.index_cast %parallel_loop3A_436 : i32 to index
        %parallel_loop3A_488 = arith.constant 48 : index
        %parallel_loop3A_489 = tpu.vector_load %arg11[%parallel_loop3A_486, %parallel_loop3A_487, %parallel_loop3A_488] {strides = array<i32>} : memref<4x64x128xf32, #tpu.memory_space<vmem>>, vector<16xf32>,
        %parallel_loop3A_490 = arith.addf %parallel_loop3A_485, %parallel_loop3A_489 : vector<16xf32>
        %parallel_loop3A_491 = arith.index_cast %rem3A_373 : i32 to index
        %parallel_loop3A_492 = arith.index_cast %parallel_loop3A_436 : i32 to index
        %parallel_loop3A_493 = arith.constant 48 : index
        %parallel_loop3A_494 = tpu.vector_load %arg12[%parallel_loop3A_491, %parallel_loop3A_492, %parallel_loop3A_493] {strides = array<i32>} : memref<4x64x128xf32, #tpu.memory_space<vmem>>, vector<16xf32>,
        tpu.vector_store %arg12[%parallel_loop3A_491, %parallel_loop3A_492, %parallel_loop3A_493], %parallel_loop3A_490 {strides = array<i32>} : memref<4x64x128xf32, #tpu.memory_space<vmem>>, vector<16xf32>,
        %parallel_loop3A_495 = arith.index_cast %rem3A_373 : i32 to index
        %parallel_loop3A_496 = arith.index_cast %parallel_loop3A_436 : i32 to index
        %parallel_loop3A_497 = arith.constant 64 : index
        %parallel_loop3A_498 = tpu.vector_load %arg10[%parallel_loop3A_495, %parallel_loop3A_496, %parallel_loop3A_497] {strides = array<i32>} : memref<4x64x128xf32, #tpu.memory_space<vmem>>, vector<16xf32>,
        %parallel_loop3A_499 = arith.mulf %parallel_loop3A_498, %parallel_loop3A_438 : vector<16xf32>
        %parallel_loop3A_500 = arith.index_cast %rem3A_373 : i32 to index
        %parallel_loop3A_501 = arith.index_cast %parallel_loop3A_436 : i32 to index
        %parallel_loop3A_502 = arith.constant 64 : index
        %parallel_loop3A_503 = tpu.vector_load %arg11[%parallel_loop3A_500, %parallel_loop3A_501, %parallel_loop3A_502] {strides = array<i32>} : memref<4x64x128xf32, #tpu.memory_space<vmem>>, vector<16xf32>,
        %parallel_loop3A_504 = arith.addf %parallel_loop3A_499, %parallel_loop3A_503 : vector<16xf32>
        %parallel_loop3A_505 = arith.index_cast %rem3A_373 : i32 to index
        %parallel_loop3A_506 = arith.index_cast %parallel_loop3A_436 : i32 to index
        %parallel_loop3A_507 = arith.constant 64 : index
        %parallel_loop3A_508 = tpu.vector_load %arg12[%parallel_loop3A_505, %parallel_loop3A_506, %parallel_loop3A_507] {strides = array<i32>} : memref<4x64x128xf32, #tpu.memory_space<vmem>>, vector<16xf32>,
        tpu.vector_store %arg12[%parallel_loop3A_505, %parallel_loop3A_506, %parallel_loop3A_507], %parallel_loop3A_504 {strides = array<i32>} : memref<4x64x128xf32, #tpu.memory_space<vmem>>, vector<16xf32>,
        %parallel_loop3A_509 = arith.index_cast %rem3A_373 : i32 to index
        %parallel_loop3A_510 = arith.index_cast %parallel_loop3A_436 : i32 to index
        %parallel_loop3A_511 = arith.constant 80 : index
        %parallel_loop3A_512 = tpu.vector_load %arg10[%parallel_loop3A_509, %parallel_loop3A_510, %parallel_loop3A_511] {strides = array<i32>} : memref<4x64x128xf32, #tpu.memory_space<vmem>>, vector<16xf32>,
        %parallel_loop3A_513 = arith.mulf %parallel_loop3A_512, %parallel_loop3A_438 : vector<16xf32>
        %parallel_loop3A_514 = arith.index_cast %rem3A_373 : i32 to index
        %parallel_loop3A_515 = arith.index_cast %parallel_loop3A_436 : i32 to index
        %parallel_loop3A_516 = arith.constant 80 : index
        %parallel_loop3A_517 = tpu.vector_load %arg11[%parallel_loop3A_514, %parallel_loop3A_515, %parallel_loop3A_516] {strides = array<i32>} : memref<4x64x128xf32, #tpu.memory_space<vmem>>, vector<16xf32>,
        %parallel_loop3A_518 = arith.addf %parallel_loop3A_513, %parallel_loop3A_517 : vector<16xf32>
        %parallel_loop3A_519 = arith.index_cast %rem3A_373 : i32 to index
        %parallel_loop3A_520 = arith.index_cast %parallel_loop3A_436 : i32 to index
        %parallel_loop3A_521 = arith.constant 80 : index
        %parallel_loop3A_522 = tpu.vector_load %arg12[%parallel_loop3A_519, %parallel_loop3A_520, %parallel_loop3A_521] {strides = array<i32>} : memref<4x64x128xf32, #tpu.memory_space<vmem>>, vector<16xf32>,
        tpu.vector_store %arg12[%parallel_loop3A_519, %parallel_loop3A_520, %parallel_loop3A_521], %parallel_loop3A_518 {strides = array<i32>} : memref<4x64x128xf32, #tpu.memory_space<vmem>>, vector<16xf32>,
        %parallel_loop3A_523 = arith.index_cast %rem3A_373 : i32 to index
        %parallel_loop3A_524 = arith.index_cast %parallel_loop3A_436 : i32 to index
        %parallel_loop3A_525 = arith.constant 96 : index
        %parallel_loop3A_526 = tpu.vector_load %arg10[%parallel_loop3A_523, %parallel_loop3A_524, %parallel_loop3A_525] {strides = array<i32>} : memref<4x64x128xf32, #tpu.memory_space<vmem>>, vector<16xf32>,
        %parallel_loop3A_527 = arith.mulf %parallel_loop3A_526, %parallel_loop3A_438 : vector<16xf32>
        %parallel_loop3A_528 = arith.index_cast %rem3A_373 : i32 to index
        %parallel_loop3A_529 = arith.index_cast %parallel_loop3A_436 : i32 to index
        %parallel_loop3A_530 = arith.constant 96 : index
        %parallel_loop3A_531 = tpu.vector_load %arg11[%parallel_loop3A_528, %parallel_loop3A_529, %parallel_loop3A_530] {strides = array<i32>} : memref<4x64x128xf32, #tpu.memory_space<vmem>>, vector<16xf32>,
        %parallel_loop3A_532 = arith.addf %parallel_loop3A_527, %parallel_loop3A_531 : vector<16xf32>
        %parallel_loop3A_533 = arith.index_cast %rem3A_373 : i32 to index
        %parallel_loop3A_534 = arith.index_cast %parallel_loop3A_436 : i32 to index
        %parallel_loop3A_535 = arith.constant 96 : index
        %parallel_loop3A_536 = tpu.vector_load %arg12[%parallel_loop3A_533, %parallel_loop3A_534, %parallel_loop3A_535] {strides = array<i32>} : memref<4x64x128xf32, #tpu.memory_space<vmem>>, vector<16xf32>,
        tpu.vector_store %arg12[%parallel_loop3A_533, %parallel_loop3A_534, %parallel_loop3A_535], %parallel_loop3A_532 {strides = array<i32>} : memref<4x64x128xf32, #tpu.memory_space<vmem>>, vector<16xf32>,
        %parallel_loop3A_537 = arith.index_cast %rem3A_373 : i32 to index
        %parallel_loop3A_538 = arith.index_cast %parallel_loop3A_436 : i32 to index
        %parallel_loop3A_539 = arith.constant 112 : index
        %parallel_loop3A_540 = tpu.vector_load %arg10[%parallel_loop3A_537, %parallel_loop3A_538, %parallel_loop3A_539] {strides = array<i32>} : memref<4x64x128xf32, #tpu.memory_space<vmem>>, vector<16xf32>,
        %parallel_loop3A_541 = arith.mulf %parallel_loop3A_540, %parallel_loop3A_438 : vector<16xf32>
        %parallel_loop3A_542 = arith.index_cast %rem3A_373 : i32 to index
        %parallel_loop3A_543 = arith.index_cast %parallel_loop3A_436 : i32 to index
        %parallel_loop3A_544 = arith.constant 112 : index
        %parallel_loop3A_545 = tpu.vector_load %arg11[%parallel_loop3A_542, %parallel_loop3A_543, %parallel_loop3A_544] {strides = array<i32>} : memref<4x64x128xf32, #tpu.memory_space<vmem>>, vector<16xf32>,
        %parallel_loop3A_546 = arith.addf %parallel_loop3A_541, %parallel_loop3A_545 : vector<16xf32>
        %parallel_loop3A_547 = arith.index_cast %rem3A_373 : i32 to index
        %parallel_loop3A_548 = arith.index_cast %parallel_loop3A_436 : i32 to index
        %parallel_loop3A_549 = arith.constant 112 : index
        %parallel_loop3A_550 = tpu.vector_load %arg12[%parallel_loop3A_547, %parallel_loop3A_548, %parallel_loop3A_549] {strides = array<i32>} : memref<4x64x128xf32, #tpu.memory_space<vmem>>, vector<16xf32>,
        tpu.vector_store %arg12[%parallel_loop3A_547, %parallel_loop3A_548, %parallel_loop3A_549], %parallel_loop3A_546 {strides = array<i32>} : memref<4x64x128xf32, #tpu.memory_space<vmem>>, vector<16xf32>,
      } {sc.loop_unroll_factor = 4 : i64, sc.parallel_access}
      %mul3A_412 = arith.constant 64 : i32
      %mul3A_413 = arith.muli %scan3A_372, %mul3A_412 : i32
      %add3A_414 = arith.addi %mul3A_2, %mul3A_413 : i32
      %dma_start3A_415 = arith.constant 0 : i32
      %dma_start3A_416 = arith.constant 0 : i32
      %dma_start3A_417 = tpu.memref_slice %arg12[%rem3A_373, %dma_start3A_415, %dma_start3A_416] : memref<4x64x128xf32, #tpu.memory_space<vmem>> -> memref<1x64x128xf32, #tpu.memory_space<vmem>>
      %dma_start3A_418 = tpu.memref_squeeze %dma_start3A_417 : memref<1x64x128xf32, #tpu.memory_space<vmem>> -> memref<64x128xf32, #tpu.memory_space<vmem>>
      %dma_start3A_419 = arith.constant 0 : i32
      %dma_start3A_420 = tpu.memref_slice %arg6[%add3A_414, %dma_start3A_419] : memref<16384x128xf32, #tpu.memory_space<hbm>> -> memref<64x128xf32, #tpu.memory_space<hbm>>
      %dma_start3A_421 = tpu.memref_slice %arg19[%rem3A_373] : memref<4x!tpu.dma_semaphore, #tpu.memory_space<semaphore_mem>> -> memref<1x!tpu.dma_semaphore, #tpu.memory_space<semaphore_mem>>
      %dma_start3A_422 = tpu.memref_squeeze %dma_start3A_421 : memref<1x!tpu.dma_semaphore, #tpu.memory_space<semaphore_mem>> -> memref<!tpu.dma_semaphore, #tpu.memory_space<semaphore_mem>>
      %dma_start3A_423 = arith.constant 0 : i32
      %dma_start3A_424 = tpu.memref_slice %arg6[%add3A_414, %dma_start3A_423] : memref<16384x128xf32, #tpu.memory_space<hbm>> -> memref<64x128xf32, #tpu.memory_space<hbm>>
      %dma_start3A_425 = arith.constant 0 : i32
      %dma_start3A_426 = arith.constant 0 : i32
      %dma_start3A_427 = tpu.memref_slice %arg12[%rem3A_373, %dma_start3A_425, %dma_start3A_426] : memref<4x64x128xf32, #tpu.memory_space<vmem>> -> memref<1x64x128xf32, #tpu.memory_space<vmem>>
      %dma_start3A_428 = tpu.memref_squeeze %dma_start3A_427 : memref<1x64x128xf32, #tpu.memory_space<vmem>> -> memref<64x128xf32, #tpu.memory_space<vmem>>
      tpu.enqueue_dma source(%dma_start3A_428 : memref<64x128xf32, #tpu.memory_space<vmem>>) target(%dma_start3A_424 : memref<64x128xf32, #tpu.memory_space<hbm>>) target_semaphore(%dma_start3A_422 : memref<!tpu.dma_semaphore, #tpu.memory_space<semaphore_mem>>)
      %add3A_429 = arith.constant 4 : i32
      %add3A_430 = arith.addi %scan3A_372, %add3A_429 : i32
      %lt3A_431 = arith.constant 8 : i32
      %lt3A_432 = arith.cmpi slt, %add3A_430, %lt3A_431 : i32
      %convert_element_type3A_433 = arith.extui %lt3A_432 : i1 to i32
      %cond3A_434 = arith.constant 0 : i32
      %cond3A_435 = arith.cmpi ne, %convert_element_type3A_433, %cond3A_434 : i32
      scf.if %cond3A_435 {
        %mul3A_436 = arith.constant 64 : i32
        %mul3A_437 = arith.muli %add3A_430, %mul3A_436 : i32
        %add3A_438 = arith.addi %mul3A_2, %mul3A_437 : i32
        %dma_start3A_439 = arith.constant 0 : i32
        %dma_start3A_440 = arith.constant 0 : i32
        %dma_start3A_441 = tpu.memref_slice %arg10[%rem3A_373, %dma_start3A_439, %dma_start3A_440] : memref<4x64x128xf32, #tpu.memory_space<vmem>> -> memref<1x64x128xf32, #tpu.memory_space<vmem>>
        %dma_start3A_442 = tpu.memref_squeeze %dma_start3A_441 : memref<1x64x128xf32, #tpu.memory_space<vmem>> -> memref<64x128xf32, #tpu.memory_space<vmem>>
        %dma_start3A_443 = arith.constant 0 : i32
        %dma_start3A_444 = tpu.memref_slice %arg2[%add3A_438, %dma_start3A_443] : memref<16384x128xf32, #tpu.memory_space<hbm>> -> memref<64x128xf32, #tpu.memory_space<hbm>>
        %dma_start3A_445 = tpu.memref_slice %arg17[%rem3A_373] : memref<4x!tpu.dma_semaphore, #tpu.memory_space<semaphore_mem>> -> memref<1x!tpu.dma_semaphore, #tpu.memory_space<semaphore_mem>>
        %dma_start3A_446 = tpu.memref_squeeze %dma_start3A_445 : memref<1x!tpu.dma_semaphore, #tpu.memory_space<semaphore_mem>> -> memref<!tpu.dma_semaphore, #tpu.memory_space<semaphore_mem>>
        %dma_start3A_447 = arith.constant 0 : i32
        %dma_start3A_448 = arith.constant 0 : i32
        %dma_start3A_449 = tpu.memref_slice %arg10[%rem3A_373, %dma_start3A_447, %dma_start3A_448] : memref<4x64x128xf32, #tpu.memory_space<vmem>> -> memref<1x64x128xf32, #tpu.memory_space<vmem>>
        %dma_start3A_450 = tpu.memref_squeeze %dma_start3A_449 : memref<1x64x128xf32, #tpu.memory_space<vmem>> -> memref<64x128xf32, #tpu.memory_space<vmem>>
        %dma_start3A_451 = arith.constant 0 : i32
        %dma_start3A_452 = tpu.memref_slice %arg2[%add3A_438, %dma_start3A_451] : memref<16384x128xf32, #tpu.memory_space<hbm>> -> memref<64x128xf32, #tpu.memory_space<hbm>>
        tpu.enqueue_dma source(%dma_start3A_452 : memref<64x128xf32, #tpu.memory_space<hbm>>) target(%dma_start3A_450 : memref<64x128xf32, #tpu.memory_space<vmem>>) target_semaphore(%dma_start3A_446 : memref<!tpu.dma_semaphore, #tpu.memory_space<semaphore_mem>>)
        %dma_start3A_453 = arith.constant 0 : i32
        %dma_start3A_454 = arith.constant 0 : i32
        %dma_start3A_455 = tpu.memref_slice %arg11[%rem3A_373, %dma_start3A_453, %dma_start3A_454] : memref<4x64x128xf32, #tpu.memory_space<vmem>> -> memref<1x64x128xf32, #tpu.memory_space<vmem>>
        %dma_start3A_456 = tpu.memref_squeeze %dma_start3A_455 : memref<1x64x128xf32, #tpu.memory_space<vmem>> -> memref<64x128xf32, #tpu.memory_space<vmem>>
        %dma_start3A_457 = arith.constant 0 : i32
        %dma_start3A_458 = tpu.memref_slice %arg7[%add3A_430, %dma_start3A_457] : memref<8x64xi32, #tpu.memory_space<vmem>> -> memref<1x64xi32, #tpu.memory_space<vmem>>
        %dma_start3A_459 = tpu.memref_squeeze %dma_start3A_458 : memref<1x64xi32, #tpu.memory_space<vmem>> -> memref<64xi32, #tpu.memory_space<vmem>>
        %dma_start3A_460 = arith.constant 0 : i32
        %dma_start3A_461 = arith.constant 0 : i32
        %dma_start3A_462 = tpu.memref_slice %arg13[%dma_start3A_460, %dma_start3A_461] : memref<1000x128xf32, #tpu.memory_space<vmem_shared>> -> memref<1000x128xf32, #tpu.memory_space<vmem_shared>>
        %dma_start3A_463 = tpu.memref_slice %arg18[%rem3A_373] : memref<4x!tpu.dma_semaphore, #tpu.memory_space<semaphore_mem>> -> memref<1x!tpu.dma_semaphore, #tpu.memory_space<semaphore_mem>>
        %dma_start3A_464 = tpu.memref_squeeze %dma_start3A_463 : memref<1x!tpu.dma_semaphore, #tpu.memory_space<semaphore_mem>> -> memref<!tpu.dma_semaphore, #tpu.memory_space<semaphore_mem>>
        tpu.enqueue_indirect_dma source(%dma_start3A_462 : memref<1000x128xf32, #tpu.memory_space<vmem_shared>>) target(%dma_start3A_456 : memref<64x128xf32, #tpu.memory_space<vmem>>) offsets(%dma_start3A_459 : memref<64xi32, #tpu.memory_space<vmem>>) semaphore(%dma_start3A_464 : memref<!tpu.dma_semaphore, #tpu.memory_space<semaphore_mem>>)
      } else {
      }
    }
    %scan3A_299 = arith.constant 8 : i32
    %add3A_300 = arith.constant 256 : i32
    %add3A_301 = arith.addi %mul3A_2, %add3A_300 : i32
    %dma_wait3A_302 = arith.constant 0 : i32
    %dma_wait3A_303 = arith.constant 0 : i32
    %dma_wait3A_304 = arith.constant 0 : i32
    %dma_wait3A_305 = arith.constant 0 : i32
    %dma_wait3A_306 = tpu.memref_slice %arg12[%dma_wait3A_302, %dma_wait3A_304, %dma_wait3A_305] : memref<4x64x128xf32, #tpu.memory_space<vmem>> -> memref<1x64x128xf32, #tpu.memory_space<vmem>>
    %dma_wait3A_307 = tpu.memref_squeeze %dma_wait3A_306 : memref<1x64x128xf32, #tpu.memory_space<vmem>> -> memref<64x128xf32, #tpu.memory_space<vmem>>
    %dma_wait3A_308 = arith.constant 0 : i32
    %dma_wait3A_309 = tpu.memref_slice %arg6[%add3A_301, %dma_wait3A_308] : memref<16384x128xf32, #tpu.memory_space<hbm>> -> memref<64x128xf32, #tpu.memory_space<hbm>>
    %dma_wait3A_310 = tpu.memref_slice %arg19[%dma_wait3A_303] : memref<4x!tpu.dma_semaphore, #tpu.memory_space<semaphore_mem>> -> memref<1x!tpu.dma_semaphore, #tpu.memory_space<semaphore_mem>>
    %dma_wait3A_311 = tpu.memref_squeeze %dma_wait3A_310 : memref<1x!tpu.dma_semaphore, #tpu.memory_space<semaphore_mem>> -> memref<!tpu.dma_semaphore, #tpu.memory_space<semaphore_mem>>
    %dma_wait3A_312 = arith.constant 0 : i32
    %dma_wait3A_313 = tpu.memref_slice %arg6[%add3A_301, %dma_wait3A_312] : memref<16384x128xf32, #tpu.memory_space<hbm>> -> memref<64x128xf32, #tpu.memory_space<hbm>>
    %dma_wait3A_314 = arith.constant 0 : i32
    %dma_wait3A_315 = arith.constant 0 : i32
    %dma_wait3A_316 = tpu.memref_slice %arg12[%dma_wait3A_302, %dma_wait3A_314, %dma_wait3A_315] : memref<4x64x128xf32, #tpu.memory_space<vmem>> -> memref<1x64x128xf32, #tpu.memory_space<vmem>>
    %dma_wait3A_317 = tpu.memref_squeeze %dma_wait3A_316 : memref<1x64x128xf32, #tpu.memory_space<vmem>> -> memref<64x128xf32, #tpu.memory_space<vmem>>
    tpu.wait_dma2 semaphore(%dma_wait3A_311 : memref<!tpu.dma_semaphore, #tpu.memory_space<semaphore_mem>>) src(%dma_wait3A_317 : memref<64x128xf32, #tpu.memory_space<vmem>>) dst(%dma_wait3A_313 : memref<64x128xf32, #tpu.memory_space<hbm>>)
    %add3A_318 = arith.constant 320 : i32
    %add3A_319 = arith.addi %mul3A_2, %add3A_318 : i32
    %dma_wait3A_320 = arith.constant 1 : i32
    %dma_wait3A_321 = arith.constant 1 : i32
    %dma_wait3A_322 = arith.constant 0 : i32
    %dma_wait3A_323 = arith.constant 0 : i32
    %dma_wait3A_324 = tpu.memref_slice %arg12[%dma_wait3A_320, %dma_wait3A_322, %dma_wait3A_323] : memref<4x64x128xf32, #tpu.memory_space<vmem>> -> memref<1x64x128xf32, #tpu.memory_space<vmem>>
    %dma_wait3A_325 = tpu.memref_squeeze %dma_wait3A_324 : memref<1x64x128xf32, #tpu.memory_space<vmem>> -> memref<64x128xf32, #tpu.memory_space<vmem>>
    %dma_wait3A_326 = arith.constant 0 : i32
    %dma_wait3A_327 = tpu.memref_slice %arg6[%add3A_319, %dma_wait3A_326] : memref<16384x128xf32, #tpu.memory_space<hbm>> -> memref<64x128xf32, #tpu.memory_space<hbm>>
    %dma_wait3A_328 = tpu.memref_slice %arg19[%dma_wait3A_321] : memref<4x!tpu.dma_semaphore, #tpu.memory_space<semaphore_mem>> -> memref<1x!tpu.dma_semaphore, #tpu.memory_space<semaphore_mem>>
    %dma_wait3A_329 = tpu.memref_squeeze %dma_wait3A_328 : memref<1x!tpu.dma_semaphore, #tpu.memory_space<semaphore_mem>> -> memref<!tpu.dma_semaphore, #tpu.memory_space<semaphore_mem>>
    %dma_wait3A_330 = arith.constant 0 : i32
    %dma_wait3A_331 = tpu.memref_slice %arg6[%add3A_319, %dma_wait3A_330] : memref<16384x128xf32, #tpu.memory_space<hbm>> -> memref<64x128xf32, #tpu.memory_space<hbm>>
    %dma_wait3A_332 = arith.constant 0 : i32
    %dma_wait3A_333 = arith.constant 0 : i32
    %dma_wait3A_334 = tpu.memref_slice %arg12[%dma_wait3A_320, %dma_wait3A_332, %dma_wait3A_333] : memref<4x64x128xf32, #tpu.memory_space<vmem>> -> memref<1x64x128xf32, #tpu.memory_space<vmem>>
    %dma_wait3A_335 = tpu.memref_squeeze %dma_wait3A_334 : memref<1x64x128xf32, #tpu.memory_space<vmem>> -> memref<64x128xf32, #tpu.memory_space<vmem>>
    tpu.wait_dma2 semaphore(%dma_wait3A_329 : memref<!tpu.dma_semaphore, #tpu.memory_space<semaphore_mem>>) src(%dma_wait3A_335 : memref<64x128xf32, #tpu.memory_space<vmem>>) dst(%dma_wait3A_331 : memref<64x128xf32, #tpu.memory_space<hbm>>)
    %add3A_336 = arith.constant 384 : i32
    %add3A_337 = arith.addi %mul3A_2, %add3A_336 : i32
    %dma_wait3A_338 = arith.constant 2 : i32
    %dma_wait3A_339 = arith.constant 2 : i32
    %dma_wait3A_340 = arith.constant 0 : i32
    %dma_wait3A_341 = arith.constant 0 : i32
    %dma_wait3A_342 = tpu.memref_slice %arg12[%dma_wait3A_338, %dma_wait3A_340, %dma_wait3A_341] : memref<4x64x128xf32, #tpu.memory_space<vmem>> -> memref<1x64x128xf32, #tpu.memory_space<vmem>>
    %dma_wait3A_343 = tpu.memref_squeeze %dma_wait3A_342 : memref<1x64x128xf32, #tpu.memory_space<vmem>> -> memref<64x128xf32, #tpu.memory_space<vmem>>
    %dma_wait3A_344 = arith.constant 0 : i32
    %dma_wait3A_345 = tpu.memref_slice %arg6[%add3A_337, %dma_wait3A_344] : memref<16384x128xf32, #tpu.memory_space<hbm>> -> memref<64x128xf32, #tpu.memory_space<hbm>>
    %dma_wait3A_346 = tpu.memref_slice %arg19[%dma_wait3A_339] : memref<4x!tpu.dma_semaphore, #tpu.memory_space<semaphore_mem>> -> memref<1x!tpu.dma_semaphore, #tpu.memory_space<semaphore_mem>>
    %dma_wait3A_347 = tpu.memref_squeeze %dma_wait3A_346 : memref<1x!tpu.dma_semaphore, #tpu.memory_space<semaphore_mem>> -> memref<!tpu.dma_semaphore, #tpu.memory_space<semaphore_mem>>
    %dma_wait3A_348 = arith.constant 0 : i32
    %dma_wait3A_349 = tpu.memref_slice %arg6[%add3A_337, %dma_wait3A_348] : memref<16384x128xf32, #tpu.memory_space<hbm>> -> memref<64x128xf32, #tpu.memory_space<hbm>>
    %dma_wait3A_350 = arith.constant 0 : i32
    %dma_wait3A_351 = arith.constant 0 : i32
    %dma_wait3A_352 = tpu.memref_slice %arg12[%dma_wait3A_338, %dma_wait3A_350, %dma_wait3A_351] : memref<4x64x128xf32, #tpu.memory_space<vmem>> -> memref<1x64x128xf32, #tpu.memory_space<vmem>>
    %dma_wait3A_353 = tpu.memref_squeeze %dma_wait3A_352 : memref<1x64x128xf32, #tpu.memory_space<vmem>> -> memref<64x128xf32, #tpu.memory_space<vmem>>
    tpu.wait_dma2 semaphore(%dma_wait3A_347 : memref<!tpu.dma_semaphore, #tpu.memory_space<semaphore_mem>>) src(%dma_wait3A_353 : memref<64x128xf32, #tpu.memory_space<vmem>>) dst(%dma_wait3A_349 : memref<64x128xf32, #tpu.memory_space<hbm>>)
    %add3A_354 = arith.constant 448 : i32
    %add3A_355 = arith.addi %mul3A_2, %add3A_354 : i32
    %dma_wait3A_356 = arith.constant 3 : i32
    %dma_wait3A_357 = arith.constant 3 : i32
    %dma_wait3A_358 = arith.constant 0 : i32
    %dma_wait3A_359 = arith.constant 0 : i32
    %dma_wait3A_360 = tpu.memref_slice %arg12[%dma_wait3A_356, %dma_wait3A_358, %dma_wait3A_359] : memref<4x64x128xf32, #tpu.memory_space<vmem>> -> memref<1x64x128xf32, #tpu.memory_space<vmem>>
    %dma_wait3A_361 = tpu.memref_squeeze %dma_wait3A_360 : memref<1x64x128xf32, #tpu.memory_space<vmem>> -> memref<64x128xf32, #tpu.memory_space<vmem>>
    %dma_wait3A_362 = arith.constant 0 : i32
    %dma_wait3A_363 = tpu.memref_slice %arg6[%add3A_355, %dma_wait3A_362] : memref<16384x128xf32, #tpu.memory_space<hbm>> -> memref<64x128xf32, #tpu.memory_space<hbm>>
    %dma_wait3A_364 = tpu.memref_slice %arg19[%dma_wait3A_357] : memref<4x!tpu.dma_semaphore, #tpu.memory_space<semaphore_mem>> -> memref<1x!tpu.dma_semaphore, #tpu.memory_space<semaphore_mem>>
    %dma_wait3A_365 = tpu.memref_squeeze %dma_wait3A_364 : memref<1x!tpu.dma_semaphore, #tpu.memory_space<semaphore_mem>> -> memref<!tpu.dma_semaphore, #tpu.memory_space<semaphore_mem>>
    %dma_wait3A_366 = arith.constant 0 : i32
    %dma_wait3A_367 = tpu.memref_slice %arg6[%add3A_355, %dma_wait3A_366] : memref<16384x128xf32, #tpu.memory_space<hbm>> -> memref<64x128xf32, #tpu.memory_space<hbm>>
    %dma_wait3A_368 = arith.constant 0 : i32
    %dma_wait3A_369 = arith.constant 0 : i32
    %dma_wait3A_370 = tpu.memref_slice %arg12[%dma_wait3A_356, %dma_wait3A_368, %dma_wait3A_369] : memref<4x64x128xf32, #tpu.memory_space<vmem>> -> memref<1x64x128xf32, #tpu.memory_space<vmem>>
    %dma_wait3A_371 = tpu.memref_squeeze %dma_wait3A_370 : memref<1x64x128xf32, #tpu.memory_space<vmem>> -> memref<64x128xf32, #tpu.memory_space<vmem>>
    tpu.wait_dma2 semaphore(%dma_wait3A_365 : memref<!tpu.dma_semaphore, #tpu.memory_space<semaphore_mem>>) src(%dma_wait3A_371 : memref<64x128xf32, #tpu.memory_space<vmem>>) dst(%dma_wait3A_367 : memref<64x128xf32, #tpu.memory_space<hbm>>)
    return
  }
}

</mosaic_0001>

<sc_bundles>
// kernel: _run.3.cloned.1.call-start
scs
__scs_entry_jumppad:
0x0: {  	(pc) =	sbr.rel $0x88, $3  }
0x1: {  	(tag) =	ssettag $0x0;
	lr =	simm.s32 $0x1  }
0x2: {  	[smem:$0x3F9D] =	sst lr;
	_ =	strace $0xD0000000  }
0x3: {  	_ = 	snop  }
0x4: {  	_ = 	snop  }
0x5: {  	_ = 	snop  }
0x6: {  	_ = 	snop  }
0x7: {  	_ = 	snop  }
__scs_overlays_trampoline_lowered:
0x8: {  	[smem:$0x3FAC] =	sst s0  }
0x9: {  	[smem:$0x3FAD] =	sst s1  }
0xa: {  	[smem:$0x3FAE] =	sst s2  }
0xb: {  	[smem:$0x3FAF] =	sst s3  }
0xc: {  	[smem:$0x3FB0] =	sst s4  }
0xd: {  	[smem:$0x3FB1] =	sst s5  }
0xe: {  	[smem:$0x3FB2] =	sst s6  }
0xf: {  	[smem:$0x3FB3] =	sst s7  }
0x10: {  	[smem:$0x3FB4] =	sst s8  }
0x11: {  	[smem:$0x3FB5] =	sst s9;
	s0 =	simm.s32 @!p0 $0x0  }
0x12: {  	s1 =	sld [smem:$0x3F9B];
	s0 =	simm.s32 @p0 $0x1  }
0x13: {  	[smem:$0x3FB6] =	sst s0;
	s0 =	simm.s32 @!p1 $0x0  }
0x14: {  	s2 =	sld [smem:$0x3F9A];
	s0 =	simm.s32 @p1 $0x1  }
0x15: {  	[smem:$0x3FB7] =	sst s0;
	s0 =	simm.s32 @!p2 $0x0  }
0x16: {  	s3 =	sld [smem:$0x3FDB];
	s0 =	simm.s32 @p2 $0x1  }
0x17: {  	s4 =	simm.s32 $0x1BF5;
	[smem:$0x3FB9] =	sst s0  }
0x18: {  	s0 =	sld [smem:$0x3F9C];
	_ =	swait.ge [sflag:s4], $0x0  }
0x19: {  	s7 =	sld [smem:$0x3F9D]  }
0x1a: {  	s8 =	sadd.s32 $0xFFFFE003, lr  }
0x1b: {  	s9 =	sadd.s32 $0xFFFFFEF7, lr;
	s5 =	simm.s32 $0xFFFFFFFF;
	p2 =	slt.u32 s8, $0xFFFFF086  }
0x1c: {  	p1 =	slt.u32 s9, $0xF7A;
	s5 =	simm.s32 @!p2 $0x0  }
0x1d: {  	s5 =	simm.s32 @p1 $0x1;
	p0 =	seq.s32 s7, s2  }
0x1e: {  	s7 =	smul.u32 @!p0 $0xF7A, s2;
	p2 =	seq.s32 @!p0 s5, $0x0  }
0x1f: {  	s9 =	smul.u32 $0xF7A, s1;
	s8 =	simm.s32 @!p0 $0x1BF5;
	p2 =	por !p2, p0  }
0x20: {  	[sflag:s8] =	ssyncset.s32 @!p0 $0xFFFFF086;
	s6 =	sadd.s32 @!p0 s3, s7;
	s7 =	simm.s32 @!p0 $0x108  }
0x21: {  	s3 =	sadd.s32 s3, s9;
	s6 =	sadd.s32 @!p0 $0x88, s6;
	s7 =	simm.s32 @p2 $0x1082  }
0x22: {  	[simem:s7], [sflag:s8] =	dma.local @!p0 [hbm:s6], $0xF7A  }
0x23: {  	s9 =	sor.u32 $0xD0000000, s2;
	s6 =	simm.s32 $0x108;
	_ =	swait.ge @!p0 [sflag:s8], $0x0  }
0x24: {  	s3 =	sadd.s32 $0x88, s3;
	s6 =	simm.s32 @!p1 $0x1082;
	[sflag:s4] =	ssyncset.s32 $0xFFFFF086  }
0x25: {  	[simem:s6], [sflag:s4] =	dma.local [hbm:s3], $0xF7A  }
0x26: {  	[smem:$0x3F9D] =	sst s1;
	(tag) =	ssettag s2;
	_ =	strace s9  }
0x27: {  	s1 =	sld [smem:$0x3FAD]  }
0x28: {  	s2 =	sld [smem:$0x3FAE]  }
0x29: {  	s4 =	sld [smem:$0x3FB0]  }
0x2a: {  	p0 =	seq.s32 s5, $0x0;
	s5 =	sld [smem:$0x3FB1]  }
0x2b: {  	s6 =	sld [smem:$0x3FB2]  }
0x2c: {  	s7 =	sld [smem:$0x3FB3]  }
0x2d: {  	s3 =	simm.s32 $0x108;
	s8 =	sld [smem:$0x3FB4]  }
0x2e: {  	s3 =	simm.s32 @!p0 $0x1082;
	s9 =	sld [smem:$0x3FB5]  }
0x2f: {  	lr =	sadd.s32 s0, s3;
	s0 =	sld [smem:$0x3FAC]  }
0x30: {  	s3 =	sld [smem:$0x3FAF]  }
0x31: {  	[smem:$0x3FB8] =	sst s10  }
0x32: {  	s10 =	sld [smem:$0x3FB6];
	_ =	sdelay $0x3  }
0x33: {  	p0 =	seq.s32 s10, $0x1;
	s10 =	sld [smem:$0x3FB8];
	_ =	sdelay $0x3  }
0x34: {  	[smem:$0x3FB8] =	sst s10  }
0x35: {  	s10 =	sld [smem:$0x3FB7];
	_ =	sdelay $0x3  }
0x36: {  	p1 =	seq.s32 s10, $0x1;
	s10 =	sld [smem:$0x3FB8];
	_ =	sdelay $0x3  }
0x37: {  	[smem:$0x3FB8] =	sst s10  }
0x38: {  	s10 =	sld [smem:$0x3FB9]  }
0x39: {  	_ = 	snop;
	(pc) =	sbr.ind lr, $3  }
0x3a: {  	_ = 	snop  }
0x3b: {  	_ = 	snop  }
0x3c: {  	p2 =	seq.s32 s10, $0x1;
	s10 =	sld [smem:$0x3FB8]  }
0x3d: {  	_ =	shalt  }
0x3e: {  	_ =	shalt  }
0x3f: {  	_ =	shalt  }
0x40: {  	_ =	shalt  }
0x41: {  	_ =	shalt  }
0x42: {  	_ =	shalt  }
0x43: {  	_ =	shalt  }
0x44: {  	_ =	shalt  }
0x45: {  	_ =	shalt  }
0x46: {  	_ =	shalt  }
0x47: {  	_ =	shalt  }
0x48: {  	_ =	shalt  }
0x49: {  	_ =	shalt  }
0x4a: {  	_ =	shalt  }
0x4b: {  	_ =	shalt  }
0x4c: {  	_ =	shalt  }
0x4d: {  	_ =	shalt  }
0x4e: {  	_ =	shalt  }
0x4f: {  	_ =	shalt  }
0x50: {  	_ =	shalt  }
0x51: {  	_ =	shalt  }
0x52: {  	_ =	shalt  }
0x53: {  	_ =	shalt  }
0x54: {  	_ =	shalt  }
0x55: {  	_ =	shalt  }
0x56: {  	_ =	shalt  }
0x57: {  	_ =	shalt  }
0x58: {  	_ =	shalt  }
0x59: {  	_ =	shalt  }
0x5a: {  	_ =	shalt  }
0x5b: {  	_ =	shalt  }
0x5c: {  	_ =	shalt  }
0x5d: {  	_ =	shalt  }
0x5e: {  	_ =	shalt  }
0x5f: {  	_ =	shalt  }
0x60: {  	_ =	shalt  }
0x61: {  	_ =	shalt  }
0x62: {  	_ =	shalt  }
0x63: {  	_ =	shalt  }
0x64: {  	_ =	shalt  }
0x65: {  	_ =	shalt  }
0x66: {  	_ =	shalt  }
0x67: {  	_ =	shalt  }
0x68: {  	_ =	shalt  }
0x69: {  	_ =	shalt  }
0x6a: {  	_ =	shalt  }
0x6b: {  	_ =	shalt  }
0x6c: {  	_ =	shalt  }
0x6d: {  	_ =	shalt  }
0x6e: {  	_ =	shalt  }
0x6f: {  	_ =	shalt  }
0x70: {  	_ =	shalt  }
0x71: {  	_ =	shalt  }
0x72: {  	_ =	shalt  }
0x73: {  	_ =	shalt  }
0x74: {  	_ =	shalt  }
0x75: {  	_ =	shalt  }
0x76: {  	_ =	shalt  }
0x77: {  	_ =	shalt  }
0x78: {  	_ =	shalt  }
0x79: {  	_ =	shalt  }
0x7a: {  	_ =	shalt  }
0x7b: {  	_ =	shalt  }
0x7c: {  	_ =	shalt  }
0x7d: {  	_ =	shalt  }
0x7e: {  	_ =	shalt  }
0x7f: {  	_ =	shalt  }
0x80: {  	_ =	shalt  }
0x81: {  	_ =	shalt  }
0x82: {  	_ =	shalt  }
0x83: {  	_ =	shalt  }
0x84: {  	_ =	shalt  }
0x85: {  	_ =	shalt  }
0x86: {  	_ =	shalt  }
0x87: {  	_ =	shalt  }
.Lfunc_end0:
.L_simem_size_0:
called_computation_lowered:
.L_overlay_start_0:
0x88: {  	s2 =	sld [smem:$0x3FD9]  }
0x89: {  	s3 =	sld [smem:$0x3FFE];
	_ =	sdelay $0x1  }
0x8a: {  	s1 =	srdreg.scid  }
0x8b: {  	s0 =	sand.u32 $0x1, s1  }
0x8c: {  	s18 =	sshll.u32 s0, $0xA;
	s2 =	sadd.s32 s3, s2  }
0x8d: {  	s2 =	sadd.s32 s2, s18  }
0x8e: {  	[smem:$0x3FC4] =	sst s2  }
0x8f: {  	_ = 	snop  }
0x90: {  	s2 =	sld [smem:$0x3FC9]  }
0x91: {  	s19 =	sld [smem:$0x3FC8]  }
0x92: {  	s4 =	sld [smem:$0x3FC7]  }
0x93: {  	s5 =	sld [smem:$0x3FC6]  }
0x94: {  	s6 =	sld [smem:$0x3FD0];
	(tm) =	ssettm $0x1  }
0x95: {  	s7 =	sld [smem:$0x3FFB];
	_ =	sdelay $0x3  }
0x96: {  	_ =	strace s7  }
0x97: {  	s7 =	sld [smem:$0x3FFC];
	_ =	sdelay $0x3  }
0x98: {  	_ =	strace s7  }
0x99: {  	s7 =	sld [smem:$0x3FFD];
	_ =	sdelay $0x3  }
0x9a: {  	_ =	strace s7  }
0x9b: {  	_ =	strace $0x8FFFFFFF  }
0x9c: {  	s20 =	sld [smem:$0x3FDB];
	_ =	sdelay $0x1  }
0x9d: {  	s8 =	simm.s32 $_scs_section_size  }
0x9e: {  	s9 =	simm.s32 $_size__tile_overlayer_lowered;
	s10 =	simm.s32 $_tile_overlayer_lowered  }
0x9f: {  	s23 =	simm.s32 $0x1BFF;
	s22 =	sshll.u32 s10, $0x1;
	s7 =	sadd.s32 s8, s20  }
0xa0: {  	s11 =	simm.s32 $0x0;
	s21 =	sshll.u32 s9, $0x1;
	s9 =	sadd.s32 s22, s7  }
0xa1: {  	[timem:s11], [sflag:s23] =	dma.local [hbm:s9], s21  }
0xa2: {  	_ =	swait.ge [sflag:s23], s21  }
0xa3: {  	s8 =	ssub.s32 $0x0, s21;
	[sflag:s23] =	ssyncset.done $0x0  }
0xa4: {  	[sflag:s23] =	ssyncadd.s32 s8;
	_ =	sdelay $0x1  }
0xa5: {  	s24 =	simm.s32 $0x1B8B  }
0xa6: {  	_ =	swait.ge [sflag:s24], $0x1  }
0xa7: {  	[sflag:s24] =	ssyncset.done $0x0  }
0xa8: {  	s25 =	simm.s32 $0x1B8E;
	[sflag:s24] =	ssyncadd.s32 $0xFFFFFFFF  }
0xa9: {  	s26 =	simm.s32 $execute0_lowered;
	[smem:$0x3FD2] =	sst s25  }
0xaa: {  	s8 =	sshll.u32 s26, $0x1;
	_ =	strace $0x80000046;
	[dreg:$0x1] =	wrdreg $0xFFFFFFFF  }
0xab: {  	s28 =	simm.s32 $_size_execute0_lowered;
	s7 =	sadd.s32 s7, s8;
	[dreg:$0x0] =	wrdreg $0x0  }
0xac: {  	s8 =	sshll.u32 s28, $0x1;
	[dreg:$0x2] =	wrdreg s7  }
0xad: {  	[dreg:$0x3] =	wrdreg s8  }
0xae: {  	[dreg:$0x4] =	wrdreg $0xC0  }
0xaf: {  	_ =	task [dreg:s11], $0x5FFFF  }
0xb0: {  	[dreg:$0x1] =	wrdreg $0xFFFFFFFF  }
0xb1: {  	[dreg:$0x0] =	wrdreg $0x60  }
0xb2: {  	[dreg:$0x2] =	wrdreg s2  }
0xb3: {  	[dreg:$0x3] =	wrdreg s19  }
0xb4: {  	[dreg:$0x4] =	wrdreg s4  }
0xb5: {  	[dreg:$0x5] =	wrdreg s5  }
0xb6: {  	[dreg:$0x6] =	wrdreg s6  }
0xb7: {  	[dreg:$0x7] =	wrdreg $0x186280  }
0xb8: {  	[dreg:$0x8] =	wrdreg $0x9  }
0xb9: {  	_ =	task.clear_ibuf [dreg:s11], $0x9FFFF;
	_ =	strace $0x90000046  }
0xba: {  	s29 =	simm.s32 $0x9;
	_ =	strace $0x80000048  }
0xbb: {  	_ =	swait.ge [sflag:s29], $0x1  }
0xbc: {  	[sflag:s29] =	ssyncadd.s32 $0xFFFFFFFF  }
0xbd: {  	_ =	strace $0x90000048  }
0xbe: {  	_ =	sfence  }
0xbf: {  	s30 =	sld [smem:$0x0];
	_ =	sdelay $0x2  }
0xc0: {  	s31 =	sshll.u32 s1, $0xD;
	s1 =	sshrl.u32 s1, $0x2  }
0xc1: {  	s3 =	sand.u32 $0x4000, s31;
	s1 =	sadd.s32 s1, s30  }
0xc2: {  	s0 =	sor.u32 s3, s0;
	s1 =	sshll.u32 s1, $0x11  }
0xc3: {  	s0 =	sor.u32 s1, s0  }
0xc4: {  	s0 =	sadd.s32 $0x8F2B, s0  }
0xc5: {  	[sflag:s0] =	ssyncadd.remote.s32 $0x1  }
0xc6: {  	_ =	sfence.sel $0xFFFF  }
0xc7: {  	[dreg:$0x0] =	wrdreg $0xFFFFFFFF;
	(pc) =	sbr.abs _section_cstart, $3  }
0xc8: {  	[dreg:$0x1] =	wrdreg $0xFFFFFFFF  }
0xc9: {  	_ =	task.clear_ibuf [dreg:s11], $0x2FFFF;
	_ =	strace $0x9FFFFFFF  }
0xca: {  	(tm) =	ssettm $0x7FFFFFFF  }
0xcb: {  	_ =	shalt  }
tec
execute0_lowered:
.L_overlay_start_1:
0x0: {  	(tag) =	ssettag $0x1  }
0x1: {  	s0 =	rddreg [dreg:$0x0]  }
0x2: {  	s1 =	rddreg [dreg:$0x1]  }
0x3: {  	s2 =	rddreg [dreg:$0x2]  }
0x4: {  	s3 =	rddreg [dreg:$0x4]  }
0x5: {  	s4 =	rddreg [dreg:$0x5];
	s5 =	srdreg.scid  }
0x6: {  	s6 =	simm.s32 $0x0;
	s14 =	stileid.u32;
	s31 =	simm.s32 $0x5E8  }
0x7: {  	s5 =	sand.u32 $0x1, s5;
	[smem:$0x7FF] =	sst s6;
	s7 =	sshll.u32 s14, $0xA  }
0x8: {  	s9 =	smul.u32 $0x3E80, s14;
	s8 =	ssub.s32 $0x2, s5;
	s5 =	sshll.u32 s5, $0x9  }
0x9: {  	_ =	strace $0x80000047;
	s10 =	sshrl.u32 s8, $0x1;
	s7 =	sor.u32 s5, s7  }
0xa: {  	s28 =	sshrl.u32 s9, $0x3;
	s5 =	ssub.s32 s8, s10;
	s30 =	sshrl.u32 s7, $0x3  }
0xb: {  	s2 =	sadd.s32 s2, s28;
	s8 =	sor.u32 $0x40, s7;
	s10 =	sor.u32 $0x80, s7  }
0xc: {  	s16 =	sor.u32 $0xC0, s7;
	[dreg:$0x7] =	wrdreg s2;
	s15 =	sadd.s32 s1, s30  }
0xd: {  	s11 =	sshrl.u32 s8, $0x3;
	s30 =	smax.u32 s5, $0x1;
	[dreg:$0x8] =	wrdreg s15  }
0xe: {  	s12 =	sshrl.u32 s10, $0x3;
	s11 =	sadd.s32 s1, s11;
	[dreg:$0x14] =	wrdreg s30  }
0xf: {  	s13 =	sshrl.u32 s16, $0x3;
	s17 =	sadd.s32 s1, s12;
	[dreg:$0x9] =	wrdreg s11  }
0x10: {  	s29 =	simm.s32 $0xE;
	s1 =	sadd.s32 s1, s13;
	[dreg:$0xa] =	wrdreg s17  }
0x11: {  	p0 =	sgt.u32 s14, $0x7;
	s18 =	sadd.s32 $0x20, s15;
	[dreg:$0xb] =	wrdreg s1  }
0x12: {  	s9 =	sadd.s32 s9, s4;
	s19 =	sadd.s32 $0x28, s15;
	[dreg:$0xc] =	wrdreg s18  }
0x13: {  	s20 =	sshll.u32 s7, $0x4;
	s21 =	sadd.s32 $0x30, s15;
	[dreg:$0xd] =	wrdreg s19  }
0x14: {  	s24 =	sshll.u32 s10, $0x4;
	s22 =	sadd.s32 $0x38, s15;
	[dreg:$0xe] =	wrdreg s21  }
0x15: {  	s25 =	sshll.u32 s16, $0x4;
	s26 =	sadd.s32 s0, s24;
	[dreg:$0xf] =	wrdreg s22  }
0x16: {  	s23 =	sshll.u32 s8, $0x4;
	s28 =	sadd.s32 s0, s25;
	[dreg:$0x12] =	wrdreg s26  }
0x17: {  	s5 =	simm.s32 $0xF;
	s1 =	sadd.s32 s0, s20;
	[dreg:$0x13] =	wrdreg s28  }
0x18: {  	s8 =	simm.s32 $0x0;
	[dreg:$0x10] =	wrdreg s1;
	s1 =	sadd.s32 s0, s23  }
0x19: {  	s24 =	simm.s32 $0x40;
	[dreg:$0x11] =	wrdreg s1;
	s1 =	sshrl.u32 @!p0 s9, $0x3  }
0x1a: {  	s22 =	simm.s32 $0x200;
	[dreg:$0x15] =	wrdreg s1;
	s1 =	simm.s32 $0x2  }
.LBB2_1:
0x1b: {  	s2 =	rddreg [dreg:$0x3]  }
0x1c: {  	[tilespmem:s22], [sflag:$0x1] =	stream.linear.gather [hbm4b:s2+s6], $0x3E8, $0x38;
	[tilespmem:$0x1A568] =	vst v63  }
0x1d: {  	s2 =	stileid.u32  }
0x1e: {  	s9 =	rddreg [dreg:$0x7];
	s2 =	sshll.u32 @!p0 s2, $0x6  }
0x1f: {  	s10 =	rddreg [dreg:$0x15];
	s2 =	sor.u32 @!p0 $0x1C03, s2  }
0x20: {  	[spmem:s10], [sflag:s2] =	dma.local @!p0 [hbm:s9], $0x7D0  }
0x21: {  	s2 =	simm.s32 @!p0 $0x3  }
0x22: {  	_ =	swait.ge @!p0 [sflag:s2], $0x7D0  }
0x23: {  	[sflag:s2] =	ssyncset.done @!p0 $0x0  }
0x24: {  	s18 =	rddreg [dreg:$0x8];
	[sflag:s2] =	ssyncadd.s32 @!p0 $0xFFFFF830  }
0x25: {  	[tilespmem:s6], [sflag:$0x2] =	stream.linear.gather [hbm4b:s18+s6], $0x40, $0x38;
	[tilespmem:$0x1A568] =	vst v63  }
0x26: {  	s19 =	rddreg [dreg:$0x9]  }
0x27: {  	[tilespmem:s24], [sflag:$0x2] =	stream.linear.gather [hbm4b:s19+s6], $0x40, $0x38;
	[tilespmem:$0x1A568] =	vst v63  }
0x28: {  	s9 =	simm.s32 $0x80;
	s20 =	rddreg [dreg:$0xa]  }
0x29: {  	[tilespmem:s9], [sflag:$0x2] =	stream.linear.gather [hbm4b:s20+s6], $0x40, $0x38;
	[tilespmem:$0x1A568] =	vst v63  }
0x2a: {  	s10 =	simm.s32 $0xC0;
	s21 =	rddreg [dreg:$0xb]  }
0x2b: {  	[tilespmem:s10], [sflag:$0x2] =	stream.linear.gather [hbm4b:s21+s6], $0x40, $0x38;
	[tilespmem:$0x1A568] =	vst v63  }
0x2c: {  	s11 =	simm.s32 $0x100;
	s23 =	rddreg [dreg:$0xc]  }
0x2d: {  	[tilespmem:s11], [sflag:$0x2] =	stream.linear.gather [hbm4b:s23+s6], $0x40, $0x38;
	[tilespmem:$0x1A568] =	vst v63  }
0x2e: {  	s26 =	simm.s32 $0x140;
	s25 =	rddreg [dreg:$0xd]  }
0x2f: {  	[tilespmem:s26], [sflag:$0x2] =	stream.linear.gather [hbm4b:s25+s6], $0x40, $0x38;
	[tilespmem:$0x1A568] =	vst v63  }
0x30: {  	s30 =	simm.s32 $0x180;
	s28 =	rddreg [dreg:$0xe]  }
0x31: {  	[tilespmem:s30], [sflag:$0x2] =	stream.linear.gather [hbm4b:s28+s6], $0x40, $0x38;
	[tilespmem:$0x1A568] =	vst v63  }
0x32: {  	s13 =	simm.s32 $0x1C0;
	s12 =	rddreg [dreg:$0xf]  }
0x33: {  	[tilespmem:s13], [sflag:$0x2] =	stream.linear.gather [hbm4b:s12+s6], $0x40, $0x38;
	[tilespmem:$0x1A568] =	vst v63  }
0x34: {  	_ =	swait.ge [sflag:s1], $0x40  }
0x35: {  	[sflag:s1] =	ssyncset.done $0x0  }
0x36: {  	[sflag:s1] =	ssyncadd.s32 $0xFFFFFFC0  }
0x37: {  	_ =	swait.ge [sflag:s1], $0x40  }
0x38: {  	[sflag:s1] =	ssyncset.done $0x0  }
0x39: {  	[sflag:s1] =	ssyncadd.s32 $0xFFFFFFC0  }
0x3a: {  	_ =	swait.ge [sflag:s1], $0x40  }
0x3b: {  	[sflag:s1] =	ssyncset.done $0x0  }
0x3c: {  	[sflag:s1] =	ssyncadd.s32 $0xFFFFFFC0  }
0x3d: {  	_ =	swait.ge [sflag:s1], $0x40  }
0x3e: {  	[sflag:s1] =	ssyncset.done $0x0  }
0x3f: {  	[sflag:s1] =	ssyncadd.s32 $0xFFFFFFC0  }
0x40: {  	_ =	swait.ge [sflag:s1], $0x40  }
0x41: {  	[sflag:s1] =	ssyncset.done $0x0  }
0x42: {  	[sflag:s1] =	ssyncadd.s32 $0xFFFFFFC0  }
0x43: {  	_ =	swait.ge [sflag:s1], $0x40  }
0x44: {  	[sflag:s1] =	ssyncset.done $0x0  }
0x45: {  	[sflag:s1] =	ssyncadd.s32 $0xFFFFFFC0  }
0x46: {  	_ =	swait.ge [sflag:s1], $0x40  }
0x47: {  	[sflag:s1] =	ssyncset.done $0x0  }
0x48: {  	[sflag:s1] =	ssyncadd.s32 $0xFFFFFFC0  }
0x49: {  	_ =	swait.ge [sflag:s1], $0x40  }
0x4a: {  	[sflag:s1] =	ssyncset.done $0x0  }
0x4b: {  	[sflag:s1] =	ssyncadd.s32 $0xFFFFFFC0  }
0x4c: {  	[bflag:$0x0] =	sbarrier.arrive $0xFFFF  }
0x4d: {  	s15 =	simm.s32 $0x628;
	s14 =	rddreg [dreg:$0x10]  }
0x4e: {  	[tilespmem:s15], [sflag:$0x4] =	stream.linear.gather [hbm4b:s14+s6], $0x2000, $0x38;
	[tilespmem:$0x1A568] =	vst v63  }
0x4f: {  	s16 =	simm.s32 $0x8628  }
0x50: {  	[tilespmem:s16], [sflag:$0x8] =	stream.indirect.gather [spmem:s4], $0x80, s6, s24, $0xb8;
	[tilespmem:$0x1A568] =	vst v63  }
0x51: {  	s18 =	simm.s32 $0x2628;
	s17 =	rddreg [dreg:$0x11]  }
0x52: {  	[tilespmem:s18], [sflag:$0x5] =	stream.linear.gather [hbm4b:s17+s6], $0x2000, $0x38;
	[tilespmem:$0x1A568] =	vst v63  }
0x53: {  	s19 =	simm.s32 $0xA628  }
0x54: {  	[tilespmem:s19], [sflag:$0x9] =	stream.indirect.gather [spmem:s4], $0x80, s24, s24, $0xb8;
	[tilespmem:$0x1A568] =	vst v63  }
0x55: {  	s21 =	simm.s32 $0x4628;
	s20 =	rddreg [dreg:$0x12]  }
0x56: {  	[tilespmem:s21], [sflag:$0x6] =	stream.linear.gather [hbm4b:s20+s6], $0x2000, $0x38;
	[tilespmem:$0x1A568] =	vst v63  }
0x57: {  	s23 =	simm.s32 $0xC628  }
0x58: {  	[tilespmem:s23], [sflag:$0xA] =	stream.indirect.gather [spmem:s4], $0x80, s9, s24, $0xb8;
	[tilespmem:$0x1A568] =	vst v63  }
0x59: {  	s26 =	simm.s32 $0x6628;
	s25 =	rddreg [dreg:$0x13]  }
0x5a: {  	[tilespmem:s26], [sflag:$0x7] =	stream.linear.gather [hbm4b:s25+s6], $0x2000, $0x38;
	[tilespmem:$0x1A568] =	vst v63  }
0x5b: {  	s28 =	simm.s32 $0xE628;
	s30 =	simm.s32 $0x1  }
0x5c: {  	[tilespmem:s28], [sflag:$0xB] =	stream.indirect.gather [spmem:s4], $0x80, s10, s24, $0xb8;
	[tilespmem:$0x1A568] =	vst v63  }
0x5d: {  	_ =	swait.ge [sflag:s30], $0x3E8  }
0x5e: {  	s11 =	simm.s32 $0x0;
	[sflag:s30] =	ssyncset.done $0x0  }
0x5f: {  	s12 =	simm.s32 $0x0;
	s10 =	simm.s32 $0x0;
	[sflag:s30] =	ssyncadd.s32 $0xFFFFFC18  }
.LBB2_2:
0x60: {  	s15 =	sand.u32 $0x3, s12  }
0x61: {  	s13 =	sor.u32 $0x4, s15  }
0x62: {  	_ =	swait.ge [sflag:s13], $0x2000  }
0x63: {  	[sflag:s13] =	ssyncset.done $0x0  }
0x64: {  	s14 =	sor.u32 $0x8, s15;
	[sflag:s13] =	ssyncadd.s32 $0xFFFFE000  }
0x65: {  	_ =	swait.ge [sflag:s14], $0x2000  }
0x66: {  	p1 =	slt.u32 s12, $0x4;
	v0 =	vmov s11;
	[sflag:s14] =	ssyncset.done $0x0  }
0x67: {  	s2 =	sor.u32 @!p1 $0xC, s15;
	[sflag:s14] =	ssyncadd.s32 $0xFFFFE000  }
0x68: {  	_ =	swait.ge @!p1 [sflag:s2], $0x2000  }
0x69: {  	[sflag:s2] =	ssyncset.done @!p1 $0x0  }
0x6a: {  	[sflag:s2] =	ssyncadd.s32 @!p1 $0xFFFFE000;
	s2 =	simm.s32 $0x0  }
0x6b: {  	v1 =	vld.idx.msk [tilespmem:v0+s2+$0x0 ss:$0x1], $0xffff;
	_ =	sdelay $0x4  }
0x6c: {  	s9 =	sshll.u32 s10, $0xD;
	s17 =	sshll.u32 s12, $0x6;
	s19 =	simm.s32 $0x0  }
0x6d: {  	s23 =	simm.s32 $0x80;
	s9 =	sand.u32 $0x6000, s9;
	s16 =	sshll.u32 s15, $0xD  }
0x6e: {  	s26 =	sadd.s32 s7, s17;
	s21 =	sor.u32 $0x728, s9;
	s20 =	sor.u32 $0x8728, s9  }
0x6f: {  	s18 =	sor.u32 $0x10728, s9;
	s25 =	sor.u32 $0x628, s16;
	s9 =	simm.s32 $0x10;
	v1 =	vld.idx.msk [tilespmem:v1+s22+$0x0], $0xffff  }
.LBB2_3:
0x70: {  	p1 =	sne.s32 s23, $0xC0;
	v2 =	vld.idx.msk [tilespmem:v0+s9+$0x0 ss:$0x1], $0xffff;
	_ =	sdelay $0x3  }
.Ltmp0:
0x71: {  	(pc) =	sbr.rel @p1 .LBB2_3-.Ltmp0, $2  }
0x72: {  	[tilespmem:s2+$0x5E8] =	vst v1;
	s2 =	smov.u32 s9;
	_ =	sdelay $0x2  }
0x73: {  	s9 =	sshra.s32 s23, $0x2;
	s23 =	sadd.s32 $0x40, s23;
	v1 =	vld.idx.msk [tilespmem:v2+s22+$0x0], $0xffff  }
0x74: {  	_ =	sdelay $0x3  }
0x75: {  	v0 =	vld.idx.msk [tilespmem:v0+s9+$0x0 ss:$0x1], $0xffff;
	_ =	sdelay $0x5  }
0x76: {  	s23 =	simm.s32 $0x2  }
0x77: {  	v2 =	vmov s23  }
0x78: {  	s28 =	simm.s32 $0x3;
	v2 =	vand.u32 $0xFFFFFFFE, v2;
	v0 =	vld.idx.msk [tilespmem:v0+s22+$0x0], $0xffff  }
0x79: {  	v3 =	vmov s19;
	v4 =	vmov s28;
	v2 =	vbroadcast v2, $0x0  }
0x7a: {  	s28 =	simm.s32 $0x1;
	v3 =	vand.u32 $0xFFFFFFFC, v3  }
0x7b: {  	v5 =	vmov s28;
	v3 =	vbroadcast v3, $0x0  }
0x7c: {  	[tilespmem:s2+$0x5E8] =	vst v1;
	v1 =	vand.u32 $0xFFFFFFFD, v5  }
0x7d: {  	v5 =	vbroadcast v1, $0x0;
	[tilespmem:s9+$0x5E8] =	vst v0  }
0x7e: {  	v0 =	vld.idx.msk [tilespmem:v4+s31+$0x0], $0xffff  }
0x7f: {  	v2 =	vld.idx.msk [tilespmem:v2+s31+$0x0], $0xffff  }
0x80: {  	v4 =	vld [tilespmem:s21+$0x0]  }
0x81: {  	v1 =	vld.idx.msk [tilespmem:v3+s31+$0x0], $0xffff  }
0x82: {  	v6 =	vld [tilespmem:s20+$0x0]  }
0x83: {  	v3 =	vld.idx.msk [tilespmem:v5+s31+$0x0], $0xffff  }
0x84: {  	v5 =	vld [tilespmem:s21+$0xFFFFFF00]  }
0x85: {  	v7 =	vld [tilespmem:s21+$0xFFFFFF80];
	v4 =	vmul.f32 v4, v2  }
0x86: {  	v9 =	vld [tilespmem:s20+$0xFFFFFF00]  }
0x87: {  	v4 =	vadd.f32 v6, v4;
	v6 =	vld [tilespmem:s20+$0xFFFFFF80]  }
0x88: {  	v8 =	vld [tilespmem:s21+$0x80]  }
0x89: {  	[tilespmem:s18+$0x0] =	vst v4;
	v4 =	vld [tilespmem:s20+$0x80]  }
0x8a: {  	v5 =	vmul.f32 v5, v1;
	v7 =	vmul.f32 v7, v3;
	v10 =	vld [tilespmem:s21+$0x10];
	_ =	sdelay $0x1  }
0x8b: {  	v5 =	vadd.f32 v9, v5;
	v9 =	vld [tilespmem:s20+$0x10];
	v6 =	vadd.f32 v6, v7  }
0x8c: {  	v8 =	vmul.f32 v8, v0  }
0x8d: {  	[tilespmem:s18+$0xFFFFFF80] =	vst v6  }
0x8e: {  	[tilespmem:s18+$0xFFFFFF00] =	vst v5;
	v4 =	vadd.f32 v4, v8;
	v6 =	vmul.f32 v10, v2;
	v7 =	vld [tilespmem:s21+$0xFFFFFF90]  }
0x8f: {  	v5 =	vld [tilespmem:s21+$0xFFFFFF10]  }
0x90: {  	v8 =	vld [tilespmem:s20+$0xFFFFFF90];
	[tilespmem:s18+$0x80] =	vst v4;
	v4 =	vadd.f32 v9, v6  }
0x91: {  	v9 =	vld [tilespmem:s20+$0xFFFFFF10]  }
0x92: {  	[tilespmem:s18+$0x10] =	vst v4  }
0x93: {  	v4 =	vld [tilespmem:s21+$0x20];
	v7 =	vmul.f32 v7, v3  }
0x94: {  	v5 =	vmul.f32 v5, v1;
	v6 =	vld [tilespmem:s21+$0x90]  }
0x95: {  	v11 =	vld [tilespmem:s20+$0x20];
	v7 =	vadd.f32 v8, v7  }
0x96: {  	v10 =	vld [tilespmem:s20+$0x90];
	v5 =	vadd.f32 v9, v5  }
0x97: {  	[tilespmem:s18+$0xFFFFFF90] =	vst v7  }
0x98: {  	[tilespmem:s18+$0xFFFFFF10] =	vst v5;
	v4 =	vmul.f32 v4, v2;
	v5 =	vld [tilespmem:s21+$0xFFFFFFA0]  }
0x99: {  	v6 =	vmul.f32 v6, v0  }
0x9a: {  	v8 =	vld [tilespmem:s20+$0xFFFFFFA0];
	v4 =	vadd.f32 v11, v4  }
0x9b: {  	v6 =	vadd.f32 v10, v6;
	v7 =	vld [tilespmem:s21+$0xFFFFFF20]  }
0x9c: {  	v9 =	vld [tilespmem:s20+$0xFFFFFF20];
	[tilespmem:s18+$0x20] =	vst v4  }
0x9d: {  	[tilespmem:s18+$0x90] =	vst v6;
	v6 =	vld [tilespmem:s21+$0x30];
	v5 =	vmul.f32 v5, v3  }
0x9e: {  	v4 =	vld [tilespmem:s21+$0xA0]  }
0x9f: {  	v10 =	vld [tilespmem:s20+$0x30];
	v5 =	vadd.f32 v8, v5  }
0xa0: {  	v7 =	vmul.f32 v7, v1;
	v8 =	vld [tilespmem:s20+$0xA0]  }
0xa1: {  	[tilespmem:s18+$0xFFFFFFA0] =	vst v5  }
0xa2: {  	v5 =	vmul.f32 v6, v2;
	v6 =	vadd.f32 v9, v7;
	v7 =	vld [tilespmem:s21+$0xFFFFFFB0]  }
0xa3: {  	v4 =	vmul.f32 v4, v0  }
0xa4: {  	v9 =	vld [tilespmem:s20+$0xFFFFFFB0];
	v5 =	vadd.f32 v10, v5  }
0xa5: {  	[tilespmem:s18+$0xFFFFFF20] =	vst v6;
	v4 =	vadd.f32 v8, v4  }
0xa6: {  	v6 =	vld [tilespmem:s21+$0xFFFFFF30];
	[tilespmem:s18+$0x30] =	vst v5  }
0xa7: {  	[tilespmem:s18+$0xA0] =	vst v4;
	v5 =	vld [tilespmem:s21+$0x40];
	v4 =	vmul.f32 v7, v3;
	_ =	sdelay $0x1  }
0xa8: {  	v8 =	vld [tilespmem:s20+$0x40];
	v4 =	vadd.f32 v9, v4  }
0xa9: {  	v10 =	vld [tilespmem:s20+$0xFFFFFF30]  }
0xaa: {  	v7 =	vld [tilespmem:s21+$0xB0];
	[tilespmem:s18+$0xFFFFFFB0] =	vst v4  }
0xab: {  	v4 =	vmul.f32 v5, v2;
	v5 =	vmul.f32 v6, v1;
	v6 =	vld [tilespmem:s21+$0xFFFFFFC0]  }
0xac: {  	v9 =	vld [tilespmem:s20+$0xB0]  }
0xad: {  	v4 =	vadd.f32 v8, v4;
	v8 =	vld [tilespmem:s20+$0xFFFFFFC0]  }
0xae: {  	v5 =	vadd.f32 v10, v5  }
0xaf: {  	v7 =	vmul.f32 v7, v0;
	[tilespmem:s18+$0x40] =	vst v4  }
0xb0: {  	[tilespmem:s18+$0xFFFFFF30] =	vst v5;
	v5 =	vld [tilespmem:s21+$0x50];
	v6 =	vmul.f32 v6, v3  }
0xb1: {  	v4 =	vadd.f32 v9, v7  }
0xb2: {  	s23 =	simm.s32 $0x4;
	v6 =	vadd.f32 v8, v6  }
0xb3: {  	s19 =	simm.s32 $0x7;
	v10 =	vmov s23;
	v7 =	vld [tilespmem:s21+$0xFFFFFF40];
	[tilespmem:s18+$0xB0] =	vst v4  }
0xb4: {  	v13 =	vmov s19;
	s28 =	simm.s32 $0x5;
	v4 =	vld [tilespmem:s20+$0x50];
	[tilespmem:s18+$0xFFFFFFC0] =	vst v6;
	v6 =	vand.u32 $0xFFFFFFFC, v10  }
0xb5: {  	v11 =	vmov s28;
	v14 =	vld [tilespmem:s21+$0xC0];
	v15 =	vmul.f32 v5, v2;
	v5 =	vbroadcast v6, $0x0  }
0xb6: {  	v8 =	vld [tilespmem:s20+$0xFFFFFF40];
	v10 =	vand.u32 $0xFFFFFFFD, v11  }
0xb7: {  	v9 =	vld [tilespmem:s20+$0xC0];
	v6 =	vbroadcast v10, $0x0  }
0xb8: {  	v11 =	vld [tilespmem:s21+$0xFFFFFFD0]  }
0xb9: {  	s30 =	simm.s32 $0x8;
	s19 =	smov.u32 s18;
	v10 =	vld [tilespmem:s20+$0xFFFFFFD0];
	v12 =	vmul.f32 v7, v1;
	v7 =	vadd.f32 v4, v15  }
0xba: {  	s2 =	simm.s32 $0x6;
	s9 =	smov.u32 s21;
	s23 =	smov.u32 s20;
	v4 =	vld.idx.msk [tilespmem:v13+s31+$0x0], $0xffff;
	v13 =	vmul.f32 v14, v0  }
.LBB2_5:
0xbb: {  	p1 =	slt.u32 s30, $0x3C;
	v5 =	vld.idx.msk [tilespmem:v5+s31+$0x0], $0xffff;
	v14 =	vmov s2;
	v8 =	vadd.f32 v8, v12;
	[tilespmem:s18+$0x50] =	vst v7  }
0xbc: {  	v7 =	vand.u32 $0xFFFFFFFE, v14;
	v12 =	vld [tilespmem:s21+$0x60];
	v9 =	vadd.f32 v9, v13  }
0xbd: {  	v6 =	vld.idx.msk [tilespmem:v6+s31+$0x0], $0xffff;
	v7 =	vbroadcast v7, $0x0;
	[tilespmem:s18+$0xFFFFFF40] =	vst v8;
	v8 =	vmul.f32 v11, v3  }
0xbe: {  	v11 =	vld [tilespmem:s20+$0x60];
	[tilespmem:s18+$0xC0] =	vst v9  }
0xbf: {  	v9 =	vld [tilespmem:s21+$0xFFFFFF50];
	v8 =	vadd.f32 v10, v8  }
0xc0: {  	v10 =	vld [tilespmem:s21+$0xD0]  }
0xc1: {  	v13 =	vld [tilespmem:s20+$0xFFFFFF50];
	[tilespmem:s18+$0xFFFFFFD0] =	vst v8;
	v8 =	vmul.f32 v12, v2  }
0xc2: {  	v12 =	vld [tilespmem:s20+$0xD0]  }
0xc3: {  	s21 =	sadd.s32 $0x200, s21;
	v7 =	vld.idx.msk [tilespmem:v7+s31+$0x0], $0xffff;
	v8 =	vadd.f32 v11, v8  }
0xc4: {  	s20 =	sadd.s32 $0x200, s20;
	v11 =	vld [tilespmem:s21+$0x0];
	v9 =	vmul.f32 v9, v1  }
0xc5: {  	v14 =	vld [tilespmem:s20+$0x0];
	[tilespmem:s18+$0x60] =	vst v8;
	v8 =	vmul.f32 v10, v0  }
0xc6: {  	v9 =	vadd.f32 v13, v9;
	v10 =	vld [tilespmem:s9+$0x70]  }
0xc7: {  	v13 =	vld [tilespmem:s21+$0xFFFFFF00];
	v8 =	vadd.f32 v12, v8  }
0xc8: {  	[tilespmem:s18+$0xFFFFFF50] =	vst v9;
	v9 =	vld [tilespmem:s23+$0x70]  }
0xc9: {  	v12 =	vld [tilespmem:s21+$0xFFFFFF80];
	v11 =	vmul.f32 v11, v7;
	[tilespmem:s18+$0xD0] =	vst v8  }
0xca: {  	v8 =	vld [tilespmem:s21+$0x80]  }
0xcb: {  	v15 =	vld [tilespmem:s20+$0xFFFFFF00];
	v11 =	vadd.f32 v14, v11;
	v10 =	vmul.f32 v10, v2;
	v2 =	vmov v7  }
0xcc: {  	s18 =	sadd.s32 $0x200, s18;
	v7 =	vmul.f32 v13, v5;
	v13 =	vld [tilespmem:s20+$0xFFFFFF80]  }
0xcd: {  	[tilespmem:s18+$0x0] =	vst v11;
	v11 =	vld [tilespmem:s20+$0x80];
	v9 =	vadd.f32 v9, v10  }
0xce: {  	v10 =	vmul.f32 v12, v6;
	v12 =	vld [tilespmem:s21+$0x10]  }
0xcf: {  	v8 =	vmul.f32 v8, v4;
	v14 =	vld [tilespmem:s9+$0xFFFFFFE0];
	[tilespmem:s19+$0x70] =	vst v9  }
0xd0: {  	v7 =	vadd.f32 v15, v7;
	v9 =	vld [tilespmem:s20+$0x10]  }
0xd1: {  	v10 =	vadd.f32 v13, v10;
	v13 =	vld [tilespmem:s9+$0xFFFFFF60]  }
0xd2: {  	[tilespmem:s18+$0xFFFFFF00] =	vst v7;
	v7 =	vadd.f32 v11, v8;
	v8 =	vld [tilespmem:s9+$0xE0]  }
0xd3: {  	v11 =	vld [tilespmem:s21+$0xFFFFFF10];
	[tilespmem:s18+$0xFFFFFF80] =	vst v10;
	v10 =	vmul.f32 v12, v2  }
0xd4: {  	v12 =	vld [tilespmem:s21+$0xFFFFFF90];
	[tilespmem:s18+$0x80] =	vst v7;
	v7 =	vmul.f32 v14, v3  }
0xd5: {  	v9 =	vadd.f32 v9, v10;
	v10 =	vld [tilespmem:s21+$0x90]  }
0xd6: {  	v14 =	vld [tilespmem:s20+$0xFFFFFF90];
	v13 =	vmul.f32 v13, v1  }
0xd7: {  	v15 =	vld [tilespmem:s20+$0xFFFFFF10];
	[tilespmem:s18+$0x10] =	vst v9;
	v8 =	vmul.f32 v8, v0  }
0xd8: {  	v9 =	vmul.f32 v11, v5;
	v11 =	vld [tilespmem:s21+$0x20]  }
0xd9: {  	v12 =	vmul.f32 v12, v6;
	v16 =	vld [tilespmem:s20+$0x90]  }
0xda: {  	v17 =	vld [tilespmem:s20+$0x20];
	v10 =	vmul.f32 v10, v4  }
0xdb: {  	v12 =	vadd.f32 v14, v12;
	v14 =	vld [tilespmem:s23+$0xFFFFFFE0]  }
0xdc: {  	v9 =	vadd.f32 v15, v9;
	v15 =	vld [tilespmem:s23+$0xFFFFFF60]  }
0xdd: {  	[tilespmem:s18+$0xFFFFFF90] =	vst v12;
	v11 =	vmul.f32 v11, v2;
	v12 =	vld [tilespmem:s23+$0xE0]  }
0xde: {  	[tilespmem:s18+$0xFFFFFF10] =	vst v9;
	v9 =	vld [tilespmem:s21+$0xFFFFFFA0];
	v10 =	vadd.f32 v16, v10  }
0xdf: {  	v16 =	vld [tilespmem:s21+$0xFFFFFF20];
	v11 =	vadd.f32 v17, v11  }
0xe0: {  	v17 =	vld [tilespmem:s20+$0xFFFFFFA0];
	[tilespmem:s18+$0x90] =	vst v10;
	v7 =	vadd.f32 v14, v7  }
0xe1: {  	[tilespmem:s18+$0x20] =	vst v11;
	v10 =	vld [tilespmem:s21+$0xA0];
	v11 =	vadd.f32 v15, v13  }
0xe2: {  	v13 =	vld [tilespmem:s21+$0x30];
	[tilespmem:s19+$0xFFFFFFE0] =	vst v7;
	v7 =	vadd.f32 v12, v8  }
0xe3: {  	v8 =	vld [tilespmem:s20+$0xFFFFFF20];
	v9 =	vmul.f32 v9, v6;
	[tilespmem:s19+$0xFFFFFF60] =	vst v11  }
0xe4: {  	v11 =	vmul.f32 v16, v5;
	v12 =	vld [tilespmem:s20+$0x30];
	[tilespmem:s19+$0xE0] =	vst v7  }
0xe5: {  	v7 =	vadd.f32 v17, v9;
	v9 =	vld [tilespmem:s20+$0xA0]  }
0xe6: {  	v10 =	vmul.f32 v10, v4;
	v14 =	vld [tilespmem:s9+$0xFFFFFFF0]  }
0xe7: {  	[tilespmem:s18+$0xFFFFFFA0] =	vst v7;
	v7 =	vmul.f32 v13, v2;
	v13 =	vld [tilespmem:s9+$0xFFFFFF70]  }
0xe8: {  	v8 =	vadd.f32 v8, v11;
	v11 =	vld [tilespmem:s21+$0xFFFFFFB0]  }
0xe9: {  	v15 =	vld [tilespmem:s20+$0xFFFFFFB0];
	v7 =	vadd.f32 v12, v7  }
0xea: {  	[tilespmem:s18+$0xFFFFFF20] =	vst v8;
	v8 =	vadd.f32 v9, v10;
	v9 =	vld [tilespmem:s9+$0xF0];
	s9 =	smov.u32 s21  }
0xeb: {  	v10 =	vld [tilespmem:s21+$0xFFFFFF30];
	[tilespmem:s18+$0x30] =	vst v7;
	v7 =	vmul.f32 v14, v3;
	v3 =	vmov v6  }
0xec: {  	v6 =	vld [tilespmem:s21+$0x40];
	[tilespmem:s18+$0xA0] =	vst v8;
	v8 =	vmul.f32 v13, v1;
	v1 =	vmov v5  }
0xed: {  	v5 =	vmul.f32 v11, v3;
	v11 =	vld [tilespmem:s21+$0xB0]  }
0xee: {  	v12 =	vld [tilespmem:s20+$0x40]  }
0xef: {  	v13 =	vld [tilespmem:s20+$0xFFFFFF30];
	v5 =	vadd.f32 v15, v5;
	v9 =	vmul.f32 v9, v0;
	v0 =	vmov v4  }
0xf0: {  	v4 =	vmul.f32 v10, v1;
	v10 =	vld [tilespmem:s20+$0xB0]  }
0xf1: {  	[tilespmem:s18+$0xFFFFFFB0] =	vst v5;
	v5 =	vmul.f32 v6, v2;
	v6 =	vld [tilespmem:s23+$0xFFFFFFF0]  }
0xf2: {  	v14 =	vld [tilespmem:s21+$0xFFFFFFC0];
	v11 =	vmul.f32 v11, v0  }
0xf3: {  	v15 =	vld [tilespmem:s20+$0xFFFFFFC0];
	v5 =	vadd.f32 v12, v5  }
0xf4: {  	v4 =	vadd.f32 v13, v4;
	v12 =	vld [tilespmem:s23+$0xFFFFFF70]  }
0xf5: {  	[tilespmem:s18+$0x40] =	vst v5;
	v5 =	vadd.f32 v10, v11;
	v10 =	vld [tilespmem:s23+$0xF0];
	s23 =	smov.u32 s20  }
0xf6: {  	[tilespmem:s18+$0xFFFFFF30] =	vst v4;
	v4 =	vld [tilespmem:s21+$0x50];
	v6 =	vadd.f32 v6, v7  }
0xf7: {  	s2 =	sadd.s32 $0x1, s30;
	s28 =	sadd.s32 $0x3, s30;
	v7 =	vmov s30;
	v11 =	vld [tilespmem:s21+$0xFFFFFF40];
	v13 =	vmul.f32 v14, v3;
	[tilespmem:s18+$0xB0] =	vst v5  }
0xf8: {  	v5 =	vand.u32 $0xFFFFFFFC, v7;
	v7 =	vmov s2;
	v14 =	vmov s28;
	v16 =	vld [tilespmem:s20+$0x50];
	[tilespmem:s19+$0xFFFFFFF0] =	vst v6  }
0xf9: {  	v5 =	vbroadcast v5, $0x0;
	v13 =	vadd.f32 v15, v13;
	v15 =	vld [tilespmem:s21+$0xC0];
	v17 =	vadd.f32 v12, v8  }
.Ltmp1:
0xfa: {  	v6 =	vand.u32 $0xFFFFFFFD, v7;
	v8 =	vld [tilespmem:s20+$0xFFFFFF40];
	v18 =	vadd.f32 v10, v9;
	(pc) =	sbr.rel @p1 .LBB2_5-.Ltmp1, $4  }
0xfb: {  	v6 =	vbroadcast v6, $0x0;
	[tilespmem:s18+$0xFFFFFFC0] =	vst v13;
	v4 =	vmul.f32 v4, v2;
	v9 =	vld [tilespmem:s20+$0xC0]  }
0xfc: {  	v12 =	vmul.f32 v11, v1;
	v11 =	vld [tilespmem:s21+$0xFFFFFFD0];
	[tilespmem:s19+$0xFFFFFF70] =	vst v17  }
0xfd: {  	v10 =	vld [tilespmem:s20+$0xFFFFFFD0];
	v7 =	vadd.f32 v16, v4;
	[tilespmem:s19+$0xF0] =	vst v18;
	s19 =	smov.u32 s18  }
0xfe: {  	s2 =	sadd.s32 $0x2, s30;
	s30 =	sadd.s32 $0x4, s30;
	v4 =	vld.idx.msk [tilespmem:v14+s31+$0x0], $0xffff;
	v13 =	vmul.f32 v15, v0  }
0xff: {  	_ =	sdelay $0x3  }
0x100: {  	v5 =	vld.idx.msk [tilespmem:v5+s31+$0x0], $0xffff  }
0x101: {  	[tilespmem:s18+$0x50] =	vst v7;
	v6 =	vld.idx.msk [tilespmem:v6+s31+$0x0], $0xffff  }
0x102: {  	v15 =	vld [tilespmem:s21+$0x60]  }
0x103: {  	v14 =	vmov s2;
	s2 =	sadd.s32 $0x200, s21;
	v16 =	vld [tilespmem:s20+$0x60]  }
0x104: {  	s30 =	sadd.s32 $0x200, s20;
	v44 =	vld [tilespmem:s2+$0x0]  }
0x105: {  	v14 =	vand.u32 $0xFFFFFFFE, v14;
	v17 =	vld [tilespmem:s30+$0x0]  }
0x106: {  	v18 =	vld [tilespmem:s2+$0xFFFFFF00];
	v14 =	vbroadcast v14, $0x0  }
0x107: {  	v19 =	vld [tilespmem:s2+$0xFFFFFF80]  }
0x108: {  	v20 =	vld [tilespmem:s2+$0x80]  }
0x109: {  	v45 =	vld [tilespmem:s30+$0xFFFFFF00]  }
0x10a: {  	v8 =	vadd.f32 v8, v12;
	v47 =	vld [tilespmem:s30+$0xFFFFFF80]  }
0x10b: {  	v48 =	vld [tilespmem:s30+$0x80]  }
0x10c: {  	v9 =	vadd.f32 v9, v13;
	[tilespmem:s18+$0xFFFFFF40] =	vst v8;
	v50 =	vmul.f32 v18, v5;
	v7 =	vld.idx.msk [tilespmem:v14+s31+$0x0], $0xffff  }
0x10d: {  	v21 =	vld [tilespmem:s21+$0xFFFFFF50];
	v52 =	vmul.f32 v19, v6  }
0x10e: {  	[tilespmem:s18+$0xC0] =	vst v9;
	v53 =	vld [tilespmem:s20+$0xFFFFFF50];
	v54 =	vmul.f32 v20, v4;
	v12 =	vadd.f32 v45, v50  }
0x10f: {  	s28 =	sadd.s32 $0x200, s18;
	v51 =	vld [tilespmem:s21+$0xD0];
	v14 =	vadd.f32 v47, v52  }
0x110: {  	v62 =	vld [tilespmem:s20+$0xD0];
	v8 =	vadd.f32 v48, v54;
	[tilespmem:s28+$0xFFFFFF00] =	vst v12  }
0x111: {  	[tilespmem:s28+$0xFFFFFF80] =	vst v14;
	v12 =	vld [tilespmem:s2+$0xFFFFFF10];
	v46 =	vmul.f32 v44, v7  }
0x112: {  	[tilespmem:s28+$0x80] =	vst v8;
	v57 =	vld [tilespmem:s2+$0xFFFFFF90]  }
0x113: {  	v59 =	vld [tilespmem:s2+$0x90];
	v49 =	vadd.f32 v17, v46  }
0x114: {  	v11 =	vmul.f32 v11, v3;
	v60 =	vld [tilespmem:s30+$0xFFFFFF90]  }
0x115: {  	v61 =	vld [tilespmem:s30+$0xFFFFFF10];
	[tilespmem:s28+$0x0] =	vst v49  }
0x116: {  	v10 =	vadd.f32 v10, v11;
	v58 =	vmul.f32 v15, v2;
	v55 =	vld [tilespmem:s2+$0x10]  }
0x117: {  	v23 =	vld [tilespmem:s30+$0x90]  }
0x118: {  	[tilespmem:s18+$0xFFFFFFD0] =	vst v10;
	v8 =	vadd.f32 v16, v58;
	v12 =	vmul.f32 v12, v5;
	v56 =	vld [tilespmem:s30+$0x10]  }
0x119: {  	v37 =	vld [tilespmem:s9+$0xFFFFFFE0]  }
0x11a: {  	v42 =	vmul.f32 v51, v0;
	v51 =	vld [tilespmem:s23+$0xFFFFFFE0];
	[tilespmem:s18+$0x60] =	vst v8;
	v14 =	vmul.f32 v59, v4;
	v12 =	vadd.f32 v61, v12  }
0x11b: {  	v9 =	vld [tilespmem:s9+$0x70];
	v22 =	vmul.f32 v57, v6;
	v13 =	vmul.f32 v55, v7  }
0x11c: {  	v8 =	vld [tilespmem:s23+$0x70];
	v27 =	vadd.f32 v23, v14;
	[tilespmem:s28+$0xFFFFFF10] =	vst v12  }
0x11d: {  	v28 =	vld [tilespmem:s2+$0xFFFFFF20];
	v63 =	vadd.f32 v56, v13;
	v13 =	vadd.f32 v60, v22  }
0x11e: {  	[tilespmem:s28+$0x90] =	vst v27;
	v33 =	vld [tilespmem:s30+$0xFFFFFF20]  }
0x11f: {  	[tilespmem:s28+$0xFFFFFF90] =	vst v13;
	v13 =	vld [tilespmem:s2+$0xA0]  }
0x120: {  	v29 =	vmul.f32 v21, v1;
	v36 =	vld [tilespmem:s30+$0xA0];
	[tilespmem:s28+$0x10] =	vst v63  }
0x121: {  	v24 =	vld [tilespmem:s2+$0x20]  }
0x122: {  	v32 =	vadd.f32 v53, v29;
	v39 =	vmul.f32 v28, v5;
	v26 =	vld [tilespmem:s2+$0xFFFFFFA0]  }
0x123: {  	v44 =	vadd.f32 v62, v42;
	v25 =	vld [tilespmem:s30+$0x20]  }
0x124: {  	[tilespmem:s18+$0xFFFFFF50] =	vst v32;
	v30 =	vld [tilespmem:s30+$0xFFFFFFA0];
	v10 =	vadd.f32 v33, v39;
	v13 =	vmul.f32 v13, v4  }
0x125: {  	v38 =	vld [tilespmem:s9+$0xFFFFFF60];
	[tilespmem:s18+$0xD0] =	vst v44  }
0x126: {  	v50 =	vld [tilespmem:s9+$0xE0];
	[tilespmem:s28+$0xFFFFFF20] =	vst v10;
	v31 =	vmul.f32 v24, v7;
	v12 =	vadd.f32 v36, v13  }
0x127: {  	v10 =	vld [tilespmem:s2+$0xFFFFFF30];
	v35 =	vmul.f32 v26, v6  }
0x128: {  	v47 =	vld [tilespmem:s30+$0xFFFFFF30];
	v34 =	vadd.f32 v25, v31;
	[tilespmem:s28+$0xA0] =	vst v12  }
0x129: {  	v11 =	vadd.f32 v30, v35;
	v46 =	vld [tilespmem:s2+$0xB0]  }
0x12a: {  	[tilespmem:s28+$0x20] =	vst v34;
	v49 =	vld [tilespmem:s30+$0xB0]  }
0x12b: {  	[tilespmem:s28+$0xFFFFFFA0] =	vst v11;
	v40 =	vld [tilespmem:s2+$0x30]  }
0x12c: {  	v10 =	vmul.f32 v10, v5;
	v11 =	vld [tilespmem:s2+$0xFFFFFFB0]  }
0x12d: {  	v41 =	vld [tilespmem:s30+$0x30]  }
0x12e: {  	v43 =	vld [tilespmem:s30+$0xFFFFFFB0];
	v10 =	vadd.f32 v47, v10;
	v14 =	vmul.f32 v46, v4  }
0x12f: {  	v57 =	vld [tilespmem:s23+$0xE0]  }
0x130: {  	v56 =	vld [tilespmem:s23+$0xFFFFFF60];
	[tilespmem:s28+$0xFFFFFF30] =	vst v10;
	v45 =	vmul.f32 v40, v7;
	v13 =	vadd.f32 v49, v14  }
0x131: {  	v10 =	vld [tilespmem:s2+$0xFFFFFF40];
	v11 =	vmul.f32 v11, v6  }
0x132: {  	v54 =	vld [tilespmem:s30+$0xFFFFFF40];
	v48 =	vadd.f32 v41, v45;
	[tilespmem:s28+$0xB0] =	vst v13  }
0x133: {  	v11 =	vadd.f32 v43, v11;
	v13 =	vld [tilespmem:s2+$0xC0]  }
0x134: {  	v15 =	vmul.f32 v37, v3;
	[tilespmem:s28+$0x30] =	vst v48;
	v55 =	vld [tilespmem:s30+$0xC0]  }
0x135: {  	[tilespmem:s28+$0xFFFFFFB0] =	vst v11;
	v12 =	vld [tilespmem:s2+$0x40]  }
0x136: {  	v15 =	vadd.f32 v51, v15;
	v10 =	vmul.f32 v10, v5;
	v11 =	vld [tilespmem:s2+$0xFFFFFFC0]  }
0x137: {  	v52 =	vld [tilespmem:s30+$0x40]  }
0x138: {  	[tilespmem:s19+$0xFFFFFFE0] =	vst v15;
	v53 =	vld [tilespmem:s30+$0xFFFFFFC0];
	v10 =	vadd.f32 v54, v10;
	v13 =	vmul.f32 v13, v4  }
0x139: {  	v28 =	vld [tilespmem:s9+$0xFFFFFFF0]  }
0x13a: {  	v43 =	vld [tilespmem:s23+$0xFFFFFFF0];
	[tilespmem:s28+$0xFFFFFF40] =	vst v10;
	v12 =	vmul.f32 v12, v7;
	v13 =	vadd.f32 v55, v13  }
0x13b: {  	v63 =	vld [tilespmem:s2+$0xFFFFFF50];
	v11 =	vmul.f32 v11, v6  }
0x13c: {  	v26 =	vld [tilespmem:s30+$0xFFFFFF50];
	v12 =	vadd.f32 v52, v12;
	[tilespmem:s28+$0xC0] =	vst v13  }
0x13d: {  	v11 =	vadd.f32 v53, v11;
	v25 =	vld [tilespmem:s2+$0xD0]  }
0x13e: {  	v62 =	vmul.f32 v38, v1;
	[tilespmem:s28+$0x40] =	vst v12;
	v27 =	vld [tilespmem:s30+$0xD0]  }
0x13f: {  	[tilespmem:s28+$0xFFFFFFC0] =	vst v11;
	v58 =	vld [tilespmem:s2+$0x50]  }
0x140: {  	v10 =	vadd.f32 v56, v62;
	v13 =	vmul.f32 v63, v5;
	v60 =	vld [tilespmem:s2+$0xFFFFFFD0]  }
0x141: {  	v59 =	vld [tilespmem:s30+$0x50]  }
0x142: {  	[tilespmem:s19+$0xFFFFFF60] =	vst v10;
	v61 =	vld [tilespmem:s30+$0xFFFFFFD0];
	v13 =	vadd.f32 v26, v13;
	v33 =	vmul.f32 v25, v4  }
0x143: {  	v30 =	vld [tilespmem:s9+$0xFFFFFF70]  }
0x144: {  	v44 =	vld [tilespmem:s23+$0xFFFFFF70];
	[tilespmem:s28+$0xFFFFFF50] =	vst v13;
	v14 =	vmul.f32 v58, v7;
	v36 =	vadd.f32 v27, v33  }
0x145: {  	v38 =	vld [tilespmem:s2+$0xFFFFFF60];
	v29 =	vmul.f32 v60, v6  }
0x146: {  	v41 =	vld [tilespmem:s30+$0xFFFFFF60];
	v11 =	vadd.f32 v59, v14;
	[tilespmem:s28+$0xD0] =	vst v36  }
0x147: {  	v32 =	vadd.f32 v61, v29;
	v39 =	vld [tilespmem:s2+$0xE0]  }
0x148: {  	v24 =	vmul.f32 v50, v0;
	[tilespmem:s28+$0x50] =	vst v11;
	v42 =	vld [tilespmem:s30+$0xE0]  }
0x149: {  	[tilespmem:s28+$0xFFFFFFD0] =	vst v32;
	v34 =	vld [tilespmem:s2+$0x60]  }
0x14a: {  	v12 =	vadd.f32 v57, v24;
	v11 =	vmul.f32 v38, v5;
	v37 =	vld [tilespmem:s2+$0xFFFFFFE0]  }
0x14b: {  	v35 =	vld [tilespmem:s30+$0x60]  }
0x14c: {  	[tilespmem:s19+$0xE0] =	vst v12;
	v40 =	vld [tilespmem:s30+$0xFFFFFFE0];
	v11 =	vadd.f32 v41, v11;
	v14 =	vmul.f32 v39, v4  }
0x14d: {  	v31 =	vld [tilespmem:s9+$0xF0]  }
0x14e: {  	v45 =	vld [tilespmem:s23+$0xF0];
	[tilespmem:s28+$0xFFFFFF60] =	vst v11;
	v17 =	vmul.f32 v34, v7;
	v46 =	vadd.f32 v42, v14  }
0x14f: {  	v50 =	vld [tilespmem:s2+$0xFFFFFF70];
	v13 =	vmul.f32 v37, v6  }
0x150: {  	v56 =	vld [tilespmem:s30+$0xFFFFFF70];
	v17 =	vadd.f32 v35, v17;
	[tilespmem:s28+$0xE0] =	vst v46  }
0x151: {  	v13 =	vadd.f32 v40, v13;
	v52 =	vld [tilespmem:s2+$0xF0]  }
0x152: {  	v49 =	vmul.f32 v9, v2;
	[tilespmem:s28+$0x60] =	vst v17;
	v58 =	vld [tilespmem:s30+$0xF0]  }
0x153: {  	v51 =	vmul.f32 v28, v3;
	[tilespmem:s28+$0xFFFFFFE0] =	vst v13;
	v17 =	vld [tilespmem:s2+$0x70]  }
0x154: {  	v2 =	vadd.f32 v8, v49;
	v53 =	vmul.f32 v30, v1;
	v48 =	vld [tilespmem:s2+$0xFFFFFFF0]  }
0x155: {  	v3 =	vadd.f32 v43, v51;
	v55 =	vmul.f32 v31, v0;
	v47 =	vld [tilespmem:s30+$0x70]  }
0x156: {  	[tilespmem:s19+$0x70] =	vst v2;
	v1 =	vadd.f32 v44, v53;
	v61 =	vmul.f32 v50, v5;
	v54 =	vld [tilespmem:s30+$0xFFFFFFF0]  }
0x157: {  	[tilespmem:s19+$0xFFFFFFF0] =	vst v3;
	v0 =	vadd.f32 v45, v55;
	v62 =	vmul.f32 v52, v4  }
0x158: {  	[tilespmem:s19+$0xFFFFFF70] =	vst v1;
	v63 =	vadd.f32 v56, v61;
	v57 =	vmul.f32 v17, v7  }
0x159: {  	[tilespmem:s19+$0xF0] =	vst v0;
	v59 =	vmul.f32 v48, v6;
	v0 =	vadd.f32 v58, v62  }
0x15a: {  	[tilespmem:s28+$0xFFFFFF70] =	vst v63;
	v60 =	vadd.f32 v47, v57  }
0x15b: {  	v3 =	vadd.f32 v54, v59;
	[tilespmem:s28+$0xF0] =	vst v0  }
0x15c: {  	s26 =	sshll.u32 s26, $0x4;
	p1 =	sgt.u32 s12, $0x3;
	[tilespmem:s28+$0x70] =	vst v60  }
0x15d: {  	s2 =	sadd.s32 s3, s26;
	s30 =	sadd.s32 $0x10628, s16;
	[tilespmem:s28+$0xFFFFFFF0] =	vst v3;
	s28 =	sor.u32 $0xC, s15  }
0x15e: {  	[hbm4b:s2+s6] =	stream.linear.scatter [tilespmem:s30], [sflag:s28], $0x2000, $0x38;
	[tilespmem:$0x1A568] =	vst v63  }
0x15f: {  	s2 =	sor.u32 @!p1 $0x100, s17  }
0x160: {  	s9 =	sor.u32 @!p1 s7, s2  }
0x161: {  	s9 =	sshll.u32 @!p1 s9, $0x4  }
0x162: {  	s15 =	simm.s32 @!p1 $0x0;
	s9 =	sadd.s32 @!p1 s0, s9  }
0x163: {  	[tilespmem:s25], [sflag:s13] =	stream.linear.gather @!p1 [hbm4b:s9+s15], $0x2000, $0x38;
	[tilespmem:$0x1A568] =	vst v63  }
0x164: {  	s12 =	sadd.s32 $0x1, s12;
	s9 =	sadd.s32 @!p1 $0x8628, s16;
	s13 =	simm.s32 @!p1 $0x40  }
0x165: {  	[tilespmem:s9], [sflag:s14] =	stream.indirect.gather @!p1 [spmem:s4], $0x80, s2, s13, $0xb8;
	[tilespmem:$0x1A568] =	vst v63  }
0x166: {  	p1 =	sne.s32 s12, $0x8  }
.Ltmp2:
0x167: {  	_ = 	snop;
	(pc) =	sbr.rel @p1 .LBB2_2-.Ltmp2, $2  }
0x168: {  	_ =	sdelay $0x2  }
0x169: {  	s11 =	sadd.s32 $0x40, s11;
	s10 =	sadd.s32 $0x1, s10  }
0x16a: {  	s2 =	simm.s32 $0xC  }
0x16b: {  	_ =	swait.ge [sflag:s2], $0x2000  }
0x16c: {  	[sflag:s2] =	ssyncset.done $0x0  }
0x16d: {  	s28 =	simm.s32 $0xD;
	[sflag:s2] =	ssyncadd.s32 $0xFFFFE000  }
0x16e: {  	_ =	swait.ge [sflag:s28], $0x2000  }
0x16f: {  	[sflag:s28] =	ssyncset.done $0x0  }
0x170: {  	[sflag:s28] =	ssyncadd.s32 $0xFFFFE000  }
0x171: {  	_ =	swait.ge [sflag:s29], $0x2000  }
0x172: {  	[sflag:s29] =	ssyncset.done $0x0  }
0x173: {  	[sflag:s29] =	ssyncadd.s32 $0xFFFFE000  }
0x174: {  	_ =	swait.ge [sflag:s5], $0x2000  }
0x175: {  	s8 =	sadd.s32 $0x1, s8;
	s30 =	rddreg [dreg:$0x14]  }
0x176: {  	p1 =	sne.s32 s8, s30  }
.Ltmp3:
0x177: {  	_ = 	snop;
	(pc) =	sbr.rel @p1 .LBB2_1-.Ltmp3, $3  }
0x178: {  	_ =	sdelay $0x1  }
0x179: {  	[sflag:s5] =	ssyncset.done $0x0  }
0x17a: {  	[sflag:s5] =	ssyncadd.s32 $0xFFFFE000  }
0x17b: {  	_ =	sfence.sel $0x180000  }
0x17c: {  	[bflag:$0x0] =	sbarrier.arrive $0xFFFF  }
0x17d: {  	_ =	strace $0x90000047  }
0x17e: {  	s0 =	stileid.u32;
	[bflag:$0x2] =	sbarrier.arrive $0xFFFF  }
0x17f: {  	p0 =	sne.s32 s0, $0x0;
	s0 =	rddreg [dreg:$0x6]  }
0x180: {  	s0 =	sadd.s32 @!p0 $0x100000, s0  }
0x181: {  	[sflag:s0] =	ssyncadd.tile.s32 @!p0 $0x1;
	_ =	shalt  }
.Lfunc_end2:
_tile_overlayer_lowered:
.L_overlay_start_2:
0x182: {  	(tag) =	ssettag $0x2  }
0x183: {  	s0 =	rddreg [dreg:$0x0];
	s2 =	stileid.u32  }
0x184: {  	s1 =	rddreg [dreg:$0x1];
	p0 =	sne.s32 s2, $0x0  }
0x185: {  	s3 =	rddreg [dreg:$0x2];
	[bflag:$0x3] =	sbarrier.arrive $0xFFFF;
	s2 =	simm.s32 @!p0 $0x1C10  }
0x186: {  	[timem:s3], [sflag:s2] =	dma.local @!p0 [hbm:s0], s1  }
0x187: {  	s0 =	simm.s32 @!p0 $0x10  }
0x188: {  	_ =	swait.ge @!p0 [sflag:s0], s1  }
0x189: {  	s1 =	ssub.s32 @!p0 $0x0, s1;
	[sflag:s0] =	ssyncset.done @!p0 $0x0  }
0x18a: {  	[sflag:s0] =	ssyncadd.s32 @!p0 s1  }
0x18b: {  	[bflag:$0x3] =	sbarrier.arrive $0xFFFF  }
0x18c: {  	_ =	shalt  }

</sc_bundles>
